<compile_context>
chip_gen: v7x
topology: tpu7x:2x2x1
jax: 0.10.2.dev20260603
libtpu: 0.0.44.dev20260713+nightly
codegen_flags: <defaults>
</compile_context>

<pallas_src>
import functools

import jax
import jax.numpy as jnp
from jax import lax
from jax.experimental import pallas as pl
from jax.experimental.pallas import tpu as pltpu
from jax.experimental.pallas import tpu_sc as plsc

_N = 4096
_NW = 32
_RPW = _N // _NW
_L = 16
_CHUNKS = _N // _L

_B = 512
_LO = -16.0
_HI = 16.0
_W = (_HI - _LO) / _B
_SCALE = _B / (_HI - _LO)
_PAD = 128
_SN = _N + 2 * _PAD
_STEP = 128
_BIG = 1 << 20


def _sqrt16(x):
    i = plsc.bitcast(x, jnp.int32)
    i = jnp.int32(0x5F3759DF) - (i >> 1)
    y = plsc.bitcast(i, jnp.float32)
    xh = x * jnp.float32(0.5)
    for _ in range(3):
        y = y * (jnp.float32(1.5) - xh * y * y)
    return x * y


def _knn_body(pts_hbm, scl_hbm, out_hbm,
              pts_v, bid_v, slot_v, sx_v, sy_v, sz_v, sbid_v,
              hist_v, cum_v, start_v, scl_v, s_v, out_v):
    cid = lax.axis_index("c")
    sid = lax.axis_index("s")
    wid = sid * 2 + cid
    base = wid * _RPW

    pltpu.sync_copy(pts_hbm, pts_v)
    for k in range(3):
        pltpu.sync_copy(scl_hbm.at[pl.ds(k * _N + base, _RPW)],
                        scl_v.at[pl.ds(k * _RPW, _RPW)])

    inf = jnp.float32(jnp.inf)
    lanes = lax.iota(jnp.int32, 16)
    lane0 = lanes == 0
    infv = jnp.full((_L,), inf)
    zerov = jnp.zeros((_L,), jnp.float32)
    zeroi = jnp.zeros((_L,), jnp.int32)
    onesi = jnp.ones((_L,), jnp.int32)
    lanesB = lanes * _B

    def z_body(j, carry):
        hist_v[pl.ds(j * _L, _L)] = zeroi
        return carry

    lax.fori_loop(0, (16 * _B) // _L, z_body, 0)

    def p_body(j, carry):
        lo_off = j * _L
        hi_off = _PAD + _N + j * _L
        for off, sentinel in ((lo_off, -_BIG), (hi_off, _BIG)):
            sx_v[pl.ds(off, _L)] = infv
            sy_v[pl.ds(off, _L)] = zerov
            sz_v[pl.ds(off, _L)] = zerov
            sbid_v[pl.ds(off, _L)] = jnp.full((_L,), sentinel, jnp.int32)
        return carry

    lax.fori_loop(0, _PAD // _L, p_body, 0)

    def a_body(j, carry):
        off = j * _L
        x = pts_v[pl.ds(off, _L)]
        t = (x - jnp.float32(_LO)) * jnp.float32(_SCALE)
        t = jnp.maximum(jnp.minimum(t, jnp.float32(_B - 1)), jnp.float32(0.0))
        bid = t.astype(jnp.int32)
        bid_v[pl.ds(off, _L)] = bid
        plsc.addupdate_scatter(hist_v, [lanesB + bid], onesi)
        return carry

    lax.fori_loop(0, _CHUNKS, a_body, 0)

    def c_body(j, carry):
        boff = j * _L
        run = zeroi
        for l in range(16):
            o = l * _B + boff
            h = hist_v[pl.ds(o, _L)]
            cum_v[pl.ds(o, _L)] = run
            hist_v[pl.ds(o, _L)] = zeroi
            run = run + h
        start_v[pl.ds(boff, _L)] = run
        return carry

    lax.fori_loop(0, _B // _L, c_body, 0)

    def s_body(j, tot):
        boff = j * _L
        t = start_v[pl.ds(boff, _L)]
        excl = plsc.cumsum(t) - t + jnp.full((_L,), tot, jnp.int32)
        start_v[pl.ds(boff, _L)] = excl
        return tot + jnp.sum(t)

    lax.fori_loop(0, _B // _L, s_body, jnp.int32(0))

    def b_body(j, carry):
        off = j * _L
        bid = bid_v[pl.ds(off, _L)]
        idx2 = lanesB + bid
        arr = plsc.load_gather(hist_v, [idx2])
        plsc.addupdate_scatter(hist_v, [idx2], onesi)
        cro = plsc.load_gather(cum_v, [idx2])
        stt = plsc.load_gather(start_v, [bid])
        slot = stt + cro + arr + _PAD
        plsc.store_scatter(sx_v, [slot], pts_v[pl.ds(off, _L)])
        plsc.store_scatter(sy_v, [slot], pts_v[pl.ds(_N + off, _L)])
        plsc.store_scatter(sz_v, [slot], pts_v[pl.ds(2 * _N + off, _L)])
        plsc.store_scatter(sbid_v, [slot], bid)
        slot_v[pl.ds(off, _L)] = slot
        return carry

    lax.fori_loop(0, _CHUNKS, b_body, 0)

    def _insert3(a, b, c, d):
        a2 = jnp.minimum(a, d)
        t = jnp.maximum(a, d)
        b2 = jnp.minimum(b, t)
        t = jnp.maximum(b, t)
        c2 = jnp.minimum(c, t)
        return a2, b2, c2

    def _scan_chunk(off, qx, qy, qz, a, b, c):
        dx = sx_v[pl.ds(off, _L)] - qx
        d = dx * dx
        dy = sy_v[pl.ds(off, _L)] - qy
        d = d + dy * dy
        dz = sz_v[pl.ds(off, _L)] - qz
        d = d + dz * dz
        return _insert3(a, b, c, d)

    def q_body(q, carry_q):
        qiv = jnp.full((_L,), base + q, jnp.int32)
        qx = plsc.load_gather(pts_v, [qiv])
        qy = plsc.load_gather(pts_v, [qiv + _N])
        qz = plsc.load_gather(pts_v, [qiv + 2 * _N])
        bqv = plsc.load_gather(bid_v, [qiv])
        slotq = plsc.load_gather(slot_v, [qiv])
        p0 = jnp.min(plsc.load_gather(start_v, [bqv])) + _PAD

        plsc.store_scatter(sx_v, [slotq], infv, mask=lane0)

        def _geo_count(gap, a, b, c):
            g2 = gap * gap
            ok = gap > jnp.float32(0.0)
            cnt = (jnp.logical_and(ok, a < g2).astype(jnp.int32)
                   + jnp.logical_and(ok, b < g2).astype(jnp.int32)
                   + jnp.logical_and(ok, c < g2).astype(jnp.int32))
            return jnp.sum(cnt) >= 3

        def r_cond(carry):
            return carry[1] > 0

        def r_body(carry):
            p, _, a, b, c = carry
            bv = plsc.load_gather(sbid_v, [jnp.full((_L,), p, jnp.int32)])
            xb = jnp.where(bv == 0, jnp.float32(-3e38),
                           bv.astype(jnp.float32) * jnp.float32(_W)
                           + jnp.float32(_LO))
            stop = jnp.logical_or(_geo_count(xb - qx, a, b, c),
                                  p + _STEP >= _PAD + _N)
            for u in range(_STEP // _L):
                a, b, c = _scan_chunk(p + u * _L, qx, qy, qz, a, b, c)
            return (p + _STEP, jnp.where(stop, jnp.int32(0), jnp.int32(1)),
                    a, b, c)

        init_r = (p0, jnp.int32(1), infv, infv, infv)
        _, _, a, b, c = lax.while_loop(r_cond, r_body, init_r)

        def l_body(carry):
            p, _, a, b, c = carry
            bv = plsc.load_gather(sbid_v,
                                  [jnp.full((_L,), p - 1, jnp.int32)])
            xb = jnp.where(bv == _B - 1, jnp.float32(3e38),
                           (bv + 1).astype(jnp.float32) * jnp.float32(_W)
                           + jnp.float32(_LO))
            stop = jnp.logical_or(_geo_count(qx - xb, a, b, c),
                                  p - _STEP <= _PAD)
            for u in range(_STEP // _L):
                a, b, c = _scan_chunk(p - (u + 1) * _L, qx, qy, qz, a, b, c)
            return (p - _STEP, jnp.where(stop, jnp.int32(0), jnp.int32(1)),
                    a, b, c)

        init_l = (p0, jnp.int32(1), a, b, c)
        _, _, a, b, c = lax.while_loop(r_cond, l_body, init_l)

        plsc.store_scatter(sx_v, [slotq], qx, mask=lane0)

        qv = jnp.full((_L,), q, jnp.int32)
        for r in range(3):
            m = jnp.min(a)
            plsc.store_scatter(s_v, [qv + r * _RPW],
                               jnp.full((_L,), m, jnp.float32),
                               mask=lane0)
            sel = lanes == plsc.all_reduce_ffs(a == m)
            a = jnp.where(sel, b, a)
            b = jnp.where(sel, c, b)
            c = jnp.where(sel, inf, c)
        return carry_q

    lax.fori_loop(0, _RPW, q_body, 0)

    third = jnp.float32(1.0 / 3.0)
    zero = jnp.float32(0.0)

    def f_body(v, carry_f):
        o = v * _L
        r = (_sqrt16(jnp.maximum(s_v[pl.ds(o, _L)], zero))
             + _sqrt16(jnp.maximum(s_v[pl.ds(_RPW + o, _L)], zero))
             + _sqrt16(jnp.maximum(s_v[pl.ds(2 * _RPW + o, _L)], zero))) * third
        r = jnp.maximum(r, jnp.float32(1e-5))
        for k in range(3):
            out_v[pl.ds(k * _RPW + o, _L)] = scl_v[pl.ds(k * _RPW + o, _L)] * r
        return carry_f

    lax.fori_loop(0, _RPW // _L, f_body, 0)

    for k in range(3):
        pltpu.sync_copy(out_v.at[pl.ds(k * _RPW, _RPW)],
                        out_hbm.at[pl.ds(k * _N + base, _RPW)])


_knn = functools.partial(
    pl.kernel,
    mesh=plsc.VectorSubcoreMesh(core_axis_name="c", subcore_axis_name="s"),
    compiler_params=pltpu.CompilerParams(needs_layout_passes=False),
    out_type=jax.ShapeDtypeStruct((3 * _N,), jnp.float32),
    scratch_types=[
        pltpu.VMEM((3 * _N,), jnp.float32),
        pltpu.VMEM((_N,), jnp.int32),
        pltpu.VMEM((_N,), jnp.int32),
        pltpu.VMEM((_SN,), jnp.float32),
        pltpu.VMEM((_SN,), jnp.float32),
        pltpu.VMEM((_SN,), jnp.float32),
        pltpu.VMEM((_SN,), jnp.int32),
        pltpu.VMEM((16 * _B,), jnp.int32),
        pltpu.VMEM((16 * _B,), jnp.int32),
        pltpu.VMEM((_B,), jnp.int32),
        pltpu.VMEM((3 * _RPW,), jnp.float32),
        pltpu.VMEM((3 * _RPW,), jnp.float32),
        pltpu.VMEM((3 * _RPW,), jnp.float32),
    ],
)(_knn_body)


def kernel(points, scales):
    out_flat = _knn(points.T.reshape(-1), scales.T.reshape(-1))
    return out_flat.reshape(3, _N).T

# --- scband reference (transcript-rebuilt; emitter-appended) ---
"""Pipeline reference for scband-gaussians-36335423324561 (READ-ONLY COPY).

The authoritative reference and input builder live on the scoring server;
editing this copy changes nothing except your own understanding.
"""

import jax, jax.numpy as jnp
import numpy as np

N = 4096

def setup_inputs(seed: int = 0) -> dict:
    key = jax.random.key(seed)
    kp, ks = jax.random.split(key)
    points = jax.random.normal(kp, (N, 3), dtype=jnp.float32)
    # Gaussians.__init__ initializes scales to 0.01 * ones((N, 3))
    scales = jnp.ones((N, 3), dtype=jnp.float32) * 0.01
    return {"points": points, "scales": scales}

def reference(points, scales):
    # Faithful port of Gaussians.initialize_scale (3-NN search over all points):
    #   point_diffs = points.unsqueeze(0) - points.unsqueeze(1)
    #   distances = ||point_diffs||_2 along dim 2, diagonal filled with inf
    #   closest = sort(distances, dim=1)[:, :3]; all_scale = mean(closest, dim=1)
    #   all_scale = clamp(all_scale, min=1e-5); scales *= all_scale.unsqueeze(1)
    n = points.shape[0]
    point_diffs = points[None, :, :] - points[:, None, :]
    sq = jnp.sum(point_diffs * point_diffs, axis=2)
    idx = jnp.arange(n)
    # fill_diagonal_(inf); set on squared distances before sqrt (identical values,
    # since sqrt(inf) = inf) to keep the math equal to torch.linalg.norm + fill.
    sq = sq.at[idx, idx].set(jnp.inf)
    distances = jnp.sqrt(sq)
    closest_distances = jnp.sort(distances, axis=1)[:, :3]
    all_scale = jnp.mean(closest_distances, axis=1)
    all_scale = jnp.maximum(all_scale, 1e-5)
    new_scales = scales * all_scale[:, None]
    return new_scales

if __name__ == "__main__":
    import jax
    _d = setup_inputs()
    print(jax.jit(kernel)(*tuple(_d.values())))

</pallas_src>

<mosaic_0001>
#map = affine_map<(d0, d1) -> (0)>
module attributes {stable_mosaic.version = 14 : i64} {
  func.func @_knn_body(%arg0: i32, %arg1: i32, %arg2: memref<12288xf32, #tpu.memory_space<hbm>>, %arg3: memref<12288xf32, #tpu.memory_space<hbm>>, %arg4: memref<12288xf32, #tpu.memory_space<hbm>>, %arg5: memref<12288xf32, #tpu.memory_space<vmem>>, %arg6: memref<4096xi32, #tpu.memory_space<vmem>>, %arg7: memref<4096xi32, #tpu.memory_space<vmem>>, %arg8: memref<4352xf32, #tpu.memory_space<vmem>>, %arg9: memref<4352xf32, #tpu.memory_space<vmem>>, %arg10: memref<4352xf32, #tpu.memory_space<vmem>>, %arg11: memref<4352xi32, #tpu.memory_space<vmem>>, %arg12: memref<8192xi32, #tpu.memory_space<vmem>>, %arg13: memref<8192xi32, #tpu.memory_space<vmem>>, %arg14: memref<512xi32, #tpu.memory_space<vmem>>, %arg15: memref<384xf32, #tpu.memory_space<vmem>>, %arg16: memref<384xf32, #tpu.memory_space<vmem>>, %arg17: memref<384xf32, #tpu.memory_space<vmem>>) attributes {dimension_semantics = [#tpu.dimension_semantics<core_parallel>, #tpu.dimension_semantics<subcore_parallel>], iteration_bounds = array<i64: 2, 16>, scalar_prefetch = 0 : i64, scratch_operands = 13 : i64, tpu.core_type = #tpu.core_type<sc_vector_subcore>, window_params = [{transform_indices = #map}, {transform_indices = #map}, {transform_indices = #map}]} {
    %mul3A = arith.constant 2 : i32
    %mul3A_0 = arith.muli %arg1, %mul3A : i32
    %add3A = arith.addi %mul3A_0, %arg0 : i32
    %mul3A_1 = arith.constant 128 : i32
    %mul3A_2 = arith.muli %add3A, %mul3A_1 : i32
    "tpu.region"() ({
      %run_scoped3A = tpu.sem_alloc : memref<!tpu.dma_semaphore, #tpu.memory_space<semaphore_mem>>
      tpu.enqueue_dma source(%arg2 : memref<12288xf32, #tpu.memory_space<hbm>>) target(%arg5 : memref<12288xf32, #tpu.memory_space<vmem>>) target_semaphore(%run_scoped3A : memref<!tpu.dma_semaphore, #tpu.memory_space<semaphore_mem>>)
      tpu.wait_dma2 semaphore(%run_scoped3A : memref<!tpu.dma_semaphore, #tpu.memory_space<semaphore_mem>>) src(%arg2 : memref<12288xf32, #tpu.memory_space<hbm>>) dst(%arg5 : memref<12288xf32, #tpu.memory_space<vmem>>)
      tpu.yield
    }) : () -> ()
    %add3A_3 = arith.constant 0 : i32
    %add3A_4 = arith.addi %add3A_3, %mul3A_2 : i32
    "tpu.region"() ({
      %run_scoped3A = tpu.sem_alloc : memref<!tpu.dma_semaphore, #tpu.memory_space<semaphore_mem>>
      %dma_start3A = arith.constant 0 : i32
      %dma_start3A_78 = tpu.memref_slice %arg15[%dma_start3A] : memref<384xf32, #tpu.memory_space<vmem>> -> memref<128xf32, #tpu.memory_space<vmem>>
      %dma_start3A_79 = tpu.memref_slice %arg3[%add3A_4] : memref<12288xf32, #tpu.memory_space<hbm>> -> memref<128xf32, #tpu.memory_space<hbm>>
      %dma_start3A_80 = arith.constant 0 : i32
      %dma_start3A_81 = tpu.memref_slice %arg15[%dma_start3A_80] : memref<384xf32, #tpu.memory_space<vmem>> -> memref<128xf32, #tpu.memory_space<vmem>>
      %dma_start3A_82 = tpu.memref_slice %arg3[%add3A_4] : memref<12288xf32, #tpu.memory_space<hbm>> -> memref<128xf32, #tpu.memory_space<hbm>>
      tpu.enqueue_dma source(%dma_start3A_82 : memref<128xf32, #tpu.memory_space<hbm>>) target(%dma_start3A_81 : memref<128xf32, #tpu.memory_space<vmem>>) target_semaphore(%run_scoped3A : memref<!tpu.dma_semaphore, #tpu.memory_space<semaphore_mem>>)
      %dma_wait3A = arith.constant 0 : i32
      %dma_wait3A_83 = tpu.memref_slice %arg15[%dma_wait3A] : memref<384xf32, #tpu.memory_space<vmem>> -> memref<128xf32, #tpu.memory_space<vmem>>
      %dma_wait3A_84 = tpu.memref_slice %arg3[%add3A_4] : memref<12288xf32, #tpu.memory_space<hbm>> -> memref<128xf32, #tpu.memory_space<hbm>>
      %dma_wait3A_85 = arith.constant 0 : i32
      %dma_wait3A_86 = tpu.memref_slice %arg15[%dma_wait3A_85] : memref<384xf32, #tpu.memory_space<vmem>> -> memref<128xf32, #tpu.memory_space<vmem>>
      %dma_wait3A_87 = tpu.memref_slice %arg3[%add3A_4] : memref<12288xf32, #tpu.memory_space<hbm>> -> memref<128xf32, #tpu.memory_space<hbm>>
      tpu.wait_dma2 semaphore(%run_scoped3A : memref<!tpu.dma_semaphore, #tpu.memory_space<semaphore_mem>>) src(%dma_wait3A_87 : memref<128xf32, #tpu.memory_space<hbm>>) dst(%dma_wait3A_86 : memref<128xf32, #tpu.memory_space<vmem>>)
      tpu.yield
    }) : () -> ()
    %add3A_5 = arith.constant 4096 : i32
    %add3A_6 = arith.addi %add3A_5, %mul3A_2 : i32
    "tpu.region"() ({
      %run_scoped3A = tpu.sem_alloc : memref<!tpu.dma_semaphore, #tpu.memory_space<semaphore_mem>>
      %dma_start3A = arith.constant 128 : i32
      %dma_start3A_78 = tpu.memref_slice %arg15[%dma_start3A] : memref<384xf32, #tpu.memory_space<vmem>> -> memref<128xf32, #tpu.memory_space<vmem>>
      %dma_start3A_79 = tpu.memref_slice %arg3[%add3A_6] : memref<12288xf32, #tpu.memory_space<hbm>> -> memref<128xf32, #tpu.memory_space<hbm>>
      %dma_start3A_80 = arith.constant 128 : i32
      %dma_start3A_81 = tpu.memref_slice %arg15[%dma_start3A_80] : memref<384xf32, #tpu.memory_space<vmem>> -> memref<128xf32, #tpu.memory_space<vmem>>
      %dma_start3A_82 = tpu.memref_slice %arg3[%add3A_6] : memref<12288xf32, #tpu.memory_space<hbm>> -> memref<128xf32, #tpu.memory_space<hbm>>
      tpu.enqueue_dma source(%dma_start3A_82 : memref<128xf32, #tpu.memory_space<hbm>>) target(%dma_start3A_81 : memref<128xf32, #tpu.memory_space<vmem>>) target_semaphore(%run_scoped3A : memref<!tpu.dma_semaphore, #tpu.memory_space<semaphore_mem>>)
      %dma_wait3A = arith.constant 128 : i32
      %dma_wait3A_83 = tpu.memref_slice %arg15[%dma_wait3A] : memref<384xf32, #tpu.memory_space<vmem>> -> memref<128xf32, #tpu.memory_space<vmem>>
      %dma_wait3A_84 = tpu.memref_slice %arg3[%add3A_6] : memref<12288xf32, #tpu.memory_space<hbm>> -> memref<128xf32, #tpu.memory_space<hbm>>
      %dma_wait3A_85 = arith.constant 128 : i32
      %dma_wait3A_86 = tpu.memref_slice %arg15[%dma_wait3A_85] : memref<384xf32, #tpu.memory_space<vmem>> -> memref<128xf32, #tpu.memory_space<vmem>>
      %dma_wait3A_87 = tpu.memref_slice %arg3[%add3A_6] : memref<12288xf32, #tpu.memory_space<hbm>> -> memref<128xf32, #tpu.memory_space<hbm>>
      tpu.wait_dma2 semaphore(%run_scoped3A : memref<!tpu.dma_semaphore, #tpu.memory_space<semaphore_mem>>) src(%dma_wait3A_87 : memref<128xf32, #tpu.memory_space<hbm>>) dst(%dma_wait3A_86 : memref<128xf32, #tpu.memory_space<vmem>>)
      tpu.yield
    }) : () -> ()
    %add3A_7 = arith.constant 8192 : i32
    %add3A_8 = arith.addi %add3A_7, %mul3A_2 : i32
    "tpu.region"() ({
      %run_scoped3A = tpu.sem_alloc : memref<!tpu.dma_semaphore, #tpu.memory_space<semaphore_mem>>
      %dma_start3A = arith.constant 256 : i32
      %dma_start3A_78 = tpu.memref_slice %arg15[%dma_start3A] : memref<384xf32, #tpu.memory_space<vmem>> -> memref<128xf32, #tpu.memory_space<vmem>>
      %dma_start3A_79 = tpu.memref_slice %arg3[%add3A_8] : memref<12288xf32, #tpu.memory_space<hbm>> -> memref<128xf32, #tpu.memory_space<hbm>>
      %dma_start3A_80 = arith.constant 256 : i32
      %dma_start3A_81 = tpu.memref_slice %arg15[%dma_start3A_80] : memref<384xf32, #tpu.memory_space<vmem>> -> memref<128xf32, #tpu.memory_space<vmem>>
      %dma_start3A_82 = tpu.memref_slice %arg3[%add3A_8] : memref<12288xf32, #tpu.memory_space<hbm>> -> memref<128xf32, #tpu.memory_space<hbm>>
      tpu.enqueue_dma source(%dma_start3A_82 : memref<128xf32, #tpu.memory_space<hbm>>) target(%dma_start3A_81 : memref<128xf32, #tpu.memory_space<vmem>>) target_semaphore(%run_scoped3A : memref<!tpu.dma_semaphore, #tpu.memory_space<semaphore_mem>>)
      %dma_wait3A = arith.constant 256 : i32
      %dma_wait3A_83 = tpu.memref_slice %arg15[%dma_wait3A] : memref<384xf32, #tpu.memory_space<vmem>> -> memref<128xf32, #tpu.memory_space<vmem>>
      %dma_wait3A_84 = tpu.memref_slice %arg3[%add3A_8] : memref<12288xf32, #tpu.memory_space<hbm>> -> memref<128xf32, #tpu.memory_space<hbm>>
      %dma_wait3A_85 = arith.constant 256 : i32
      %dma_wait3A_86 = tpu.memref_slice %arg15[%dma_wait3A_85] : memref<384xf32, #tpu.memory_space<vmem>> -> memref<128xf32, #tpu.memory_space<vmem>>
      %dma_wait3A_87 = tpu.memref_slice %arg3[%add3A_8] : memref<12288xf32, #tpu.memory_space<hbm>> -> memref<128xf32, #tpu.memory_space<hbm>>
      tpu.wait_dma2 semaphore(%run_scoped3A : memref<!tpu.dma_semaphore, #tpu.memory_space<semaphore_mem>>) src(%dma_wait3A_87 : memref<128xf32, #tpu.memory_space<hbm>>) dst(%dma_wait3A_86 : memref<128xf32, #tpu.memory_space<vmem>>)
      tpu.yield
    }) : () -> ()
    %iota3A = tpu.iota {dimensions = array<i32: 0>} : vector<16xi32>
    %eq3A = arith.constant 0 : i32
    %eq3A_9 = vector.broadcast %eq3A : i32 to vector<16xi32>
    %eq3A_10 = arith.cmpi eq, %iota3A, %eq3A_9 : vector<16xi32>
    %broadcast_in_dim3A = arith.constant 0x7F800000 : f32
    %broadcast_in_dim3A_11 = vector.broadcast %broadcast_in_dim3A : f32 to vector<16xf32>
    %broadcast_in_dim3A_12 = arith.constant 0.000000e+00 : f32
    %broadcast_in_dim3A_13 = vector.broadcast %broadcast_in_dim3A_12 : f32 to vector<16xf32>
    %broadcast_in_dim3A_14 = arith.constant 0 : i32
    %broadcast_in_dim3A_15 = vector.broadcast %broadcast_in_dim3A_14 : i32 to vector<16xi32>
    %broadcast_in_dim3A_16 = arith.constant 1 : i32
    %broadcast_in_dim3A_17 = vector.broadcast %broadcast_in_dim3A_16 : i32 to vector<16xi32>
    %mul3A_18 = arith.constant 512 : i32
    %mul3A_19 = vector.broadcast %mul3A_18 : i32 to vector<16xi32>
    %mul3A_20 = arith.muli %iota3A, %mul3A_19 : vector<16xi32>
    %scan3A = arith.constant 0 : i32
    %scan3A_21 = arith.constant 0 : i32
    %scan3A_22 = arith.constant 512 : i32
    %scan3A_23 = arith.addi %scan3A_21, %scan3A_22 : i32
    %scan3A_24 = arith.constant 1 : i32
    scf.for %scan3A_78 = %scan3A_21 to %scan3A_23 step %scan3A_24  : i32 {
      %mul3A_79 = arith.constant 16 : i32
      %mul3A_80 = arith.muli %scan3A_78, %mul3A_79 : i32
      %swap3A = arith.index_cast %mul3A_80 : i32 to index
      %swap3A_81 = tpu.vector_load %arg12[%swap3A] {strides = array<i32>} : memref<8192xi32, #tpu.memory_space<vmem>>, vector<16xi32>,
      tpu.vector_store %arg12[%swap3A], %broadcast_in_dim3A_15 {strides = array<i32>} : memref<8192xi32, #tpu.memory_space<vmem>>, vector<16xi32>,
    }
    %scan3A_25 = arith.constant 512 : i32
    %scan3A_26 = arith.constant 0 : i32
    %scan3A_27 = arith.constant 0 : i32
    %scan3A_28 = arith.constant 8 : i32
    %scan3A_29 = arith.addi %scan3A_27, %scan3A_28 : i32
    %scan3A_30 = arith.constant 1 : i32
    scf.for %scan3A_78 = %scan3A_27 to %scan3A_29 step %scan3A_30  : i32 {
      %mul3A_79 = arith.constant 16 : i32
      %mul3A_80 = arith.muli %scan3A_78, %mul3A_79 : i32
      %mul3A_81 = arith.constant 16 : i32
      %mul3A_82 = arith.muli %scan3A_78, %mul3A_81 : i32
      %add3A_83 = arith.constant 4224 : i32
      %add3A_84 = arith.addi %add3A_83, %mul3A_82 : i32
      %swap3A = arith.index_cast %mul3A_80 : i32 to index
      %swap3A_85 = tpu.vector_load %arg8[%swap3A] {strides = array<i32>} : memref<4352xf32, #tpu.memory_space<vmem>>, vector<16xf32>,
      tpu.vector_store %arg8[%swap3A], %broadcast_in_dim3A_11 {strides = array<i32>} : memref<4352xf32, #tpu.memory_space<vmem>>, vector<16xf32>,
      %swap3A_86 = arith.index_cast %mul3A_80 : i32 to index
      %swap3A_87 = tpu.vector_load %arg9[%swap3A_86] {strides = array<i32>} : memref<4352xf32, #tpu.memory_space<vmem>>, vector<16xf32>,
      tpu.vector_store %arg9[%swap3A_86], %broadcast_in_dim3A_13 {strides = array<i32>} : memref<4352xf32, #tpu.memory_space<vmem>>, vector<16xf32>,
      %swap3A_88 = arith.index_cast %mul3A_80 : i32 to index
      %swap3A_89 = tpu.vector_load %arg10[%swap3A_88] {strides = array<i32>} : memref<4352xf32, #tpu.memory_space<vmem>>, vector<16xf32>,
      tpu.vector_store %arg10[%swap3A_88], %broadcast_in_dim3A_13 {strides = array<i32>} : memref<4352xf32, #tpu.memory_space<vmem>>, vector<16xf32>,
      %broadcast_in_dim3A_90 = arith.constant -1048576 : i32
      %broadcast_in_dim3A_91 = vector.broadcast %broadcast_in_dim3A_90 : i32 to vector<16xi32>
      %swap3A_92 = arith.index_cast %mul3A_80 : i32 to index
      %swap3A_93 = tpu.vector_load %arg11[%swap3A_92] {strides = array<i32>} : memref<4352xi32, #tpu.memory_space<vmem>>, vector<16xi32>,
      tpu.vector_store %arg11[%swap3A_92], %broadcast_in_dim3A_91 {strides = array<i32>} : memref<4352xi32, #tpu.memory_space<vmem>>, vector<16xi32>,
      %swap3A_94 = arith.index_cast %add3A_84 : i32 to index
      %swap3A_95 = tpu.vector_load %arg8[%swap3A_94] {strides = array<i32>} : memref<4352xf32, #tpu.memory_space<vmem>>, vector<16xf32>,
      tpu.vector_store %arg8[%swap3A_94], %broadcast_in_dim3A_11 {strides = array<i32>} : memref<4352xf32, #tpu.memory_space<vmem>>, vector<16xf32>,
      %swap3A_96 = arith.index_cast %add3A_84 : i32 to index
      %swap3A_97 = tpu.vector_load %arg9[%swap3A_96] {strides = array<i32>} : memref<4352xf32, #tpu.memory_space<vmem>>, vector<16xf32>,
      tpu.vector_store %arg9[%swap3A_96], %broadcast_in_dim3A_13 {strides = array<i32>} : memref<4352xf32, #tpu.memory_space<vmem>>, vector<16xf32>,
      %swap3A_98 = arith.index_cast %add3A_84 : i32 to index
      %swap3A_99 = tpu.vector_load %arg10[%swap3A_98] {strides = array<i32>} : memref<4352xf32, #tpu.memory_space<vmem>>, vector<16xf32>,
      tpu.vector_store %arg10[%swap3A_98], %broadcast_in_dim3A_13 {strides = array<i32>} : memref<4352xf32, #tpu.memory_space<vmem>>, vector<16xf32>,
      %broadcast_in_dim3A_100 = arith.constant 1048576 : i32
      %broadcast_in_dim3A_101 = vector.broadcast %broadcast_in_dim3A_100 : i32 to vector<16xi32>
      %swap3A_102 = arith.index_cast %add3A_84 : i32 to index
      %swap3A_103 = tpu.vector_load %arg11[%swap3A_102] {strides = array<i32>} : memref<4352xi32, #tpu.memory_space<vmem>>, vector<16xi32>,
      tpu.vector_store %arg11[%swap3A_102], %broadcast_in_dim3A_101 {strides = array<i32>} : memref<4352xi32, #tpu.memory_space<vmem>>, vector<16xi32>,
    }
    %scan3A_31 = arith.constant 8 : i32
    %scan3A_32 = arith.constant 0 : i32
    %scan3A_33 = arith.constant 0 : i32
    %scan3A_34 = arith.constant 256 : i32
    %scan3A_35 = arith.addi %scan3A_33, %scan3A_34 : i32
    %scan3A_36 = arith.constant 1 : i32
    scf.for %scan3A_78 = %scan3A_33 to %scan3A_35 step %scan3A_36  : i32 {
      %mul3A_79 = arith.constant 16 : i32
      %mul3A_80 = arith.muli %scan3A_78, %mul3A_79 : i32
      %get3A = arith.index_cast %mul3A_80 : i32 to index
      %get3A_81 = tpu.vector_load %arg5[%get3A] {strides = array<i32>} : memref<12288xf32, #tpu.memory_space<vmem>>, vector<16xf32>,
      %sub3A = arith.constant -1.600000e+01 : f32
      %sub3A_82 = vector.broadcast %sub3A : f32 to vector<16xf32>
      %sub3A_83 = arith.subf %get3A_81, %sub3A_82 : vector<16xf32>
      %mul3A_84 = arith.constant 1.600000e+01 : f32
      %mul3A_85 = vector.broadcast %mul3A_84 : f32 to vector<16xf32>
      %mul3A_86 = arith.mulf %sub3A_83, %mul3A_85 : vector<16xf32>
      %min3A = arith.constant 5.110000e+02 : f32
      %min3A_87 = vector.broadcast %min3A : f32 to vector<16xf32>
      %min3A_88 = arith.minimumf %mul3A_86, %min3A_87 : vector<16xf32>
      %max3A = arith.constant 0.000000e+00 : f32
      %max3A_89 = vector.broadcast %max3A : f32 to vector<16xf32>
      %max3A_90 = arith.maximumf %min3A_88, %max3A_89 : vector<16xf32>
      %convert_element_type3A = arith.fptosi %max3A_90 : vector<16xf32> to vector<16xi32>
      %swap3A = arith.index_cast %mul3A_80 : i32 to index
      %swap3A_91 = tpu.vector_load %arg6[%swap3A] {strides = array<i32>} : memref<4096xi32, #tpu.memory_space<vmem>>, vector<16xi32>,
      tpu.vector_store %arg6[%swap3A], %convert_element_type3A {strides = array<i32>} : memref<4096xi32, #tpu.memory_space<vmem>>, vector<16xi32>,
      %add3A_92 = arith.addi %mul3A_20, %convert_element_type3A : vector<16xi32>
      tpu.vector_store_idx %arg12[%add3A_92], %broadcast_in_dim3A_17 {add = true} : memref<8192xi32, #tpu.memory_space<vmem>>[vector<16xi32>], vector<16xi32>,
    }
    %scan3A_37 = arith.constant 256 : i32
    %scan3A_38 = arith.constant 0 : i32
    %scan3A_39 = arith.constant 0 : i32
    %scan3A_40 = arith.constant 32 : i32
    %scan3A_41 = arith.addi %scan3A_39, %scan3A_40 : i32
    %scan3A_42 = arith.constant 1 : i32
    scf.for %scan3A_78 = %scan3A_39 to %scan3A_41 step %scan3A_42  : i32 {
      %mul3A_79 = arith.constant 16 : i32
      %mul3A_80 = arith.muli %scan3A_78, %mul3A_79 : i32
      %add3A_81 = arith.constant 0 : i32
      %add3A_82 = arith.addi %add3A_81, %mul3A_80 : i32
      %get3A = arith.index_cast %add3A_82 : i32 to index
      %get3A_83 = tpu.vector_load %arg12[%get3A] {strides = array<i32>} : memref<8192xi32, #tpu.memory_space<vmem>>, vector<16xi32>,
      %swap3A = arith.index_cast %add3A_82 : i32 to index
      %swap3A_84 = tpu.vector_load %arg13[%swap3A] {strides = array<i32>} : memref<8192xi32, #tpu.memory_space<vmem>>, vector<16xi32>,
      tpu.vector_store %arg13[%swap3A], %broadcast_in_dim3A_15 {strides = array<i32>} : memref<8192xi32, #tpu.memory_space<vmem>>, vector<16xi32>,
      %swap3A_85 = arith.index_cast %add3A_82 : i32 to index
      %swap3A_86 = tpu.vector_load %arg12[%swap3A_85] {strides = array<i32>} : memref<8192xi32, #tpu.memory_space<vmem>>, vector<16xi32>,
      tpu.vector_store %arg12[%swap3A_85], %broadcast_in_dim3A_15 {strides = array<i32>} : memref<8192xi32, #tpu.memory_space<vmem>>, vector<16xi32>,
      %add3A_87 = arith.addi %broadcast_in_dim3A_15, %get3A_83 : vector<16xi32>
      %add3A_88 = arith.constant 512 : i32
      %add3A_89 = arith.addi %add3A_88, %mul3A_80 : i32
      %get3A_90 = arith.index_cast %add3A_89 : i32 to index
      %get3A_91 = tpu.vector_load %arg12[%get3A_90] {strides = array<i32>} : memref<8192xi32, #tpu.memory_space<vmem>>, vector<16xi32>,
      %swap3A_92 = arith.index_cast %add3A_89 : i32 to index
      %swap3A_93 = tpu.vector_load %arg13[%swap3A_92] {strides = array<i32>} : memref<8192xi32, #tpu.memory_space<vmem>>, vector<16xi32>,
      tpu.vector_store %arg13[%swap3A_92], %add3A_87 {strides = array<i32>} : memref<8192xi32, #tpu.memory_space<vmem>>, vector<16xi32>,
      %swap3A_94 = arith.index_cast %add3A_89 : i32 to index
      %swap3A_95 = tpu.vector_load %arg12[%swap3A_94] {strides = array<i32>} : memref<8192xi32, #tpu.memory_space<vmem>>, vector<16xi32>,
      tpu.vector_store %arg12[%swap3A_94], %broadcast_in_dim3A_15 {strides = array<i32>} : memref<8192xi32, #tpu.memory_space<vmem>>, vector<16xi32>,
      %add3A_96 = arith.addi %add3A_87, %get3A_91 : vector<16xi32>
      %add3A_97 = arith.constant 1024 : i32
      %add3A_98 = arith.addi %add3A_97, %mul3A_80 : i32
      %get3A_99 = arith.index_cast %add3A_98 : i32 to index
      %get3A_100 = tpu.vector_load %arg12[%get3A_99] {strides = array<i32>} : memref<8192xi32, #tpu.memory_space<vmem>>, vector<16xi32>,
      %swap3A_101 = arith.index_cast %add3A_98 : i32 to index
      %swap3A_102 = tpu.vector_load %arg13[%swap3A_101] {strides = array<i32>} : memref<8192xi32, #tpu.memory_space<vmem>>, vector<16xi32>,
      tpu.vector_store %arg13[%swap3A_101], %add3A_96 {strides = array<i32>} : memref<8192xi32, #tpu.memory_space<vmem>>, vector<16xi32>,
      %swap3A_103 = arith.index_cast %add3A_98 : i32 to index
      %swap3A_104 = tpu.vector_load %arg12[%swap3A_103] {strides = array<i32>} : memref<8192xi32, #tpu.memory_space<vmem>>, vector<16xi32>,
      tpu.vector_store %arg12[%swap3A_103], %broadcast_in_dim3A_15 {strides = array<i32>} : memref<8192xi32, #tpu.memory_space<vmem>>, vector<16xi32>,
      %add3A_105 = arith.addi %add3A_96, %get3A_100 : vector<16xi32>
      %add3A_106 = arith.constant 1536 : i32
      %add3A_107 = arith.addi %add3A_106, %mul3A_80 : i32
      %get3A_108 = arith.index_cast %add3A_107 : i32 to index
      %get3A_109 = tpu.vector_load %arg12[%get3A_108] {strides = array<i32>} : memref<8192xi32, #tpu.memory_space<vmem>>, vector<16xi32>,
      %swap3A_110 = arith.index_cast %add3A_107 : i32 to index
      %swap3A_111 = tpu.vector_load %arg13[%swap3A_110] {strides = array<i32>} : memref<8192xi32, #tpu.memory_space<vmem>>, vector<16xi32>,
      tpu.vector_store %arg13[%swap3A_110], %add3A_105 {strides = array<i32>} : memref<8192xi32, #tpu.memory_space<vmem>>, vector<16xi32>,
      %swap3A_112 = arith.index_cast %add3A_107 : i32 to index
      %swap3A_113 = tpu.vector_load %arg12[%swap3A_112] {strides = array<i32>} : memref<8192xi32, #tpu.memory_space<vmem>>, vector<16xi32>,
      tpu.vector_store %arg12[%swap3A_112], %broadcast_in_dim3A_15 {strides = array<i32>} : memref<8192xi32, #tpu.memory_space<vmem>>, vector<16xi32>,
      %add3A_114 = arith.addi %add3A_105, %get3A_109 : vector<16xi32>
      %add3A_115 = arith.constant 2048 : i32
      %add3A_116 = arith.addi %add3A_115, %mul3A_80 : i32
      %get3A_117 = arith.index_cast %add3A_116 : i32 to index
      %get3A_118 = tpu.vector_load %arg12[%get3A_117] {strides = array<i32>} : memref<8192xi32, #tpu.memory_space<vmem>>, vector<16xi32>,
      %swap3A_119 = arith.index_cast %add3A_116 : i32 to index
      %swap3A_120 = tpu.vector_load %arg13[%swap3A_119] {strides = array<i32>} : memref<8192xi32, #tpu.memory_space<vmem>>, vector<16xi32>,
      tpu.vector_store %arg13[%swap3A_119], %add3A_114 {strides = array<i32>} : memref<8192xi32, #tpu.memory_space<vmem>>, vector<16xi32>,
      %swap3A_121 = arith.index_cast %add3A_116 : i32 to index
      %swap3A_122 = tpu.vector_load %arg12[%swap3A_121] {strides = array<i32>} : memref<8192xi32, #tpu.memory_space<vmem>>, vector<16xi32>,
      tpu.vector_store %arg12[%swap3A_121], %broadcast_in_dim3A_15 {strides = array<i32>} : memref<8192xi32, #tpu.memory_space<vmem>>, vector<16xi32>,
      %add3A_123 = arith.addi %add3A_114, %get3A_118 : vector<16xi32>
      %add3A_124 = arith.constant 2560 : i32
      %add3A_125 = arith.addi %add3A_124, %mul3A_80 : i32
      %get3A_126 = arith.index_cast %add3A_125 : i32 to index
      %get3A_127 = tpu.vector_load %arg12[%get3A_126] {strides = array<i32>} : memref<8192xi32, #tpu.memory_space<vmem>>, vector<16xi32>,
      %swap3A_128 = arith.index_cast %add3A_125 : i32 to index
      %swap3A_129 = tpu.vector_load %arg13[%swap3A_128] {strides = array<i32>} : memref<8192xi32, #tpu.memory_space<vmem>>, vector<16xi32>,
      tpu.vector_store %arg13[%swap3A_128], %add3A_123 {strides = array<i32>} : memref<8192xi32, #tpu.memory_space<vmem>>, vector<16xi32>,
      %swap3A_130 = arith.index_cast %add3A_125 : i32 to index
      %swap3A_131 = tpu.vector_load %arg12[%swap3A_130] {strides = array<i32>} : memref<8192xi32, #tpu.memory_space<vmem>>, vector<16xi32>,
      tpu.vector_store %arg12[%swap3A_130], %broadcast_in_dim3A_15 {strides = array<i32>} : memref<8192xi32, #tpu.memory_space<vmem>>, vector<16xi32>,
      %add3A_132 = arith.addi %add3A_123, %get3A_127 : vector<16xi32>
      %add3A_133 = arith.constant 3072 : i32
      %add3A_134 = arith.addi %add3A_133, %mul3A_80 : i32
      %get3A_135 = arith.index_cast %add3A_134 : i32 to index
      %get3A_136 = tpu.vector_load %arg12[%get3A_135] {strides = array<i32>} : memref<8192xi32, #tpu.memory_space<vmem>>, vector<16xi32>,
      %swap3A_137 = arith.index_cast %add3A_134 : i32 to index
      %swap3A_138 = tpu.vector_load %arg13[%swap3A_137] {strides = array<i32>} : memref<8192xi32, #tpu.memory_space<vmem>>, vector<16xi32>,
      tpu.vector_store %arg13[%swap3A_137], %add3A_132 {strides = array<i32>} : memref<8192xi32, #tpu.memory_space<vmem>>, vector<16xi32>,
      %swap3A_139 = arith.index_cast %add3A_134 : i32 to index
      %swap3A_140 = tpu.vector_load %arg12[%swap3A_139] {strides = array<i32>} : memref<8192xi32, #tpu.memory_space<vmem>>, vector<16xi32>,
      tpu.vector_store %arg12[%swap3A_139], %broadcast_in_dim3A_15 {strides = array<i32>} : memref<8192xi32, #tpu.memory_space<vmem>>, vector<16xi32>,
      %add3A_141 = arith.addi %add3A_132, %get3A_136 : vector<16xi32>
      %add3A_142 = arith.constant 3584 : i32
      %add3A_143 = arith.addi %add3A_142, %mul3A_80 : i32
      %get3A_144 = arith.index_cast %add3A_143 : i32 to index
      %get3A_145 = tpu.vector_load %arg12[%get3A_144] {strides = array<i32>} : memref<8192xi32, #tpu.memory_space<vmem>>, vector<16xi32>,
      %swap3A_146 = arith.index_cast %add3A_143 : i32 to index
      %swap3A_147 = tpu.vector_load %arg13[%swap3A_146] {strides = array<i32>} : memref<8192xi32, #tpu.memory_space<vmem>>, vector<16xi32>,
      tpu.vector_store %arg13[%swap3A_146], %add3A_141 {strides = array<i32>} : memref<8192xi32, #tpu.memory_space<vmem>>, vector<16xi32>,
      %swap3A_148 = arith.index_cast %add3A_143 : i32 to index
      %swap3A_149 = tpu.vector_load %arg12[%swap3A_148] {strides = array<i32>} : memref<8192xi32, #tpu.memory_space<vmem>>, vector<16xi32>,
      tpu.vector_store %arg12[%swap3A_148], %broadcast_in_dim3A_15 {strides = array<i32>} : memref<8192xi32, #tpu.memory_space<vmem>>, vector<16xi32>,
      %add3A_150 = arith.addi %add3A_141, %get3A_145 : vector<16xi32>
      %add3A_151 = arith.constant 4096 : i32
      %add3A_152 = arith.addi %add3A_151, %mul3A_80 : i32
      %get3A_153 = arith.index_cast %add3A_152 : i32 to index
      %get3A_154 = tpu.vector_load %arg12[%get3A_153] {strides = array<i32>} : memref<8192xi32, #tpu.memory_space<vmem>>, vector<16xi32>,
      %swap3A_155 = arith.index_cast %add3A_152 : i32 to index
      %swap3A_156 = tpu.vector_load %arg13[%swap3A_155] {strides = array<i32>} : memref<8192xi32, #tpu.memory_space<vmem>>, vector<16xi32>,
      tpu.vector_store %arg13[%swap3A_155], %add3A_150 {strides = array<i32>} : memref<8192xi32, #tpu.memory_space<vmem>>, vector<16xi32>,
      %swap3A_157 = arith.index_cast %add3A_152 : i32 to index
      %swap3A_158 = tpu.vector_load %arg12[%swap3A_157] {strides = array<i32>} : memref<8192xi32, #tpu.memory_space<vmem>>, vector<16xi32>,
      tpu.vector_store %arg12[%swap3A_157], %broadcast_in_dim3A_15 {strides = array<i32>} : memref<8192xi32, #tpu.memory_space<vmem>>, vector<16xi32>,
      %add3A_159 = arith.addi %add3A_150, %get3A_154 : vector<16xi32>
      %add3A_160 = arith.constant 4608 : i32
      %add3A_161 = arith.addi %add3A_160, %mul3A_80 : i32
      %get3A_162 = arith.index_cast %add3A_161 : i32 to index
      %get3A_163 = tpu.vector_load %arg12[%get3A_162] {strides = array<i32>} : memref<8192xi32, #tpu.memory_space<vmem>>, vector<16xi32>,
      %swap3A_164 = arith.index_cast %add3A_161 : i32 to index
      %swap3A_165 = tpu.vector_load %arg13[%swap3A_164] {strides = array<i32>} : memref<8192xi32, #tpu.memory_space<vmem>>, vector<16xi32>,
      tpu.vector_store %arg13[%swap3A_164], %add3A_159 {strides = array<i32>} : memref<8192xi32, #tpu.memory_space<vmem>>, vector<16xi32>,
      %swap3A_166 = arith.index_cast %add3A_161 : i32 to index
      %swap3A_167 = tpu.vector_load %arg12[%swap3A_166] {strides = array<i32>} : memref<8192xi32, #tpu.memory_space<vmem>>, vector<16xi32>,
      tpu.vector_store %arg12[%swap3A_166], %broadcast_in_dim3A_15 {strides = array<i32>} : memref<8192xi32, #tpu.memory_space<vmem>>, vector<16xi32>,
      %add3A_168 = arith.addi %add3A_159, %get3A_163 : vector<16xi32>
      %add3A_169 = arith.constant 5120 : i32
      %add3A_170 = arith.addi %add3A_169, %mul3A_80 : i32
      %get3A_171 = arith.index_cast %add3A_170 : i32 to index
      %get3A_172 = tpu.vector_load %arg12[%get3A_171] {strides = array<i32>} : memref<8192xi32, #tpu.memory_space<vmem>>, vector<16xi32>,
      %swap3A_173 = arith.index_cast %add3A_170 : i32 to index
      %swap3A_174 = tpu.vector_load %arg13[%swap3A_173] {strides = array<i32>} : memref<8192xi32, #tpu.memory_space<vmem>>, vector<16xi32>,
      tpu.vector_store %arg13[%swap3A_173], %add3A_168 {strides = array<i32>} : memref<8192xi32, #tpu.memory_space<vmem>>, vector<16xi32>,
      %swap3A_175 = arith.index_cast %add3A_170 : i32 to index
      %swap3A_176 = tpu.vector_load %arg12[%swap3A_175] {strides = array<i32>} : memref<8192xi32, #tpu.memory_space<vmem>>, vector<16xi32>,
      tpu.vector_store %arg12[%swap3A_175], %broadcast_in_dim3A_15 {strides = array<i32>} : memref<8192xi32, #tpu.memory_space<vmem>>, vector<16xi32>,
      %add3A_177 = arith.addi %add3A_168, %get3A_172 : vector<16xi32>
      %add3A_178 = arith.constant 5632 : i32
      %add3A_179 = arith.addi %add3A_178, %mul3A_80 : i32
      %get3A_180 = arith.index_cast %add3A_179 : i32 to index
      %get3A_181 = tpu.vector_load %arg12[%get3A_180] {strides = array<i32>} : memref<8192xi32, #tpu.memory_space<vmem>>, vector<16xi32>,
      %swap3A_182 = arith.index_cast %add3A_179 : i32 to index
      %swap3A_183 = tpu.vector_load %arg13[%swap3A_182] {strides = array<i32>} : memref<8192xi32, #tpu.memory_space<vmem>>, vector<16xi32>,
      tpu.vector_store %arg13[%swap3A_182], %add3A_177 {strides = array<i32>} : memref<8192xi32, #tpu.memory_space<vmem>>, vector<16xi32>,
      %swap3A_184 = arith.index_cast %add3A_179 : i32 to index
      %swap3A_185 = tpu.vector_load %arg12[%swap3A_184] {strides = array<i32>} : memref<8192xi32, #tpu.memory_space<vmem>>, vector<16xi32>,
      tpu.vector_store %arg12[%swap3A_184], %broadcast_in_dim3A_15 {strides = array<i32>} : memref<8192xi32, #tpu.memory_space<vmem>>, vector<16xi32>,
      %add3A_186 = arith.addi %add3A_177, %get3A_181 : vector<16xi32>
      %add3A_187 = arith.constant 6144 : i32
      %add3A_188 = arith.addi %add3A_187, %mul3A_80 : i32
      %get3A_189 = arith.index_cast %add3A_188 : i32 to index
      %get3A_190 = tpu.vector_load %arg12[%get3A_189] {strides = array<i32>} : memref<8192xi32, #tpu.memory_space<vmem>>, vector<16xi32>,
      %swap3A_191 = arith.index_cast %add3A_188 : i32 to index
      %swap3A_192 = tpu.vector_load %arg13[%swap3A_191] {strides = array<i32>} : memref<8192xi32, #tpu.memory_space<vmem>>, vector<16xi32>,
      tpu.vector_store %arg13[%swap3A_191], %add3A_186 {strides = array<i32>} : memref<8192xi32, #tpu.memory_space<vmem>>, vector<16xi32>,
      %swap3A_193 = arith.index_cast %add3A_188 : i32 to index
      %swap3A_194 = tpu.vector_load %arg12[%swap3A_193] {strides = array<i32>} : memref<8192xi32, #tpu.memory_space<vmem>>, vector<16xi32>,
      tpu.vector_store %arg12[%swap3A_193], %broadcast_in_dim3A_15 {strides = array<i32>} : memref<8192xi32, #tpu.memory_space<vmem>>, vector<16xi32>,
      %add3A_195 = arith.addi %add3A_186, %get3A_190 : vector<16xi32>
      %add3A_196 = arith.constant 6656 : i32
      %add3A_197 = arith.addi %add3A_196, %mul3A_80 : i32
      %get3A_198 = arith.index_cast %add3A_197 : i32 to index
      %get3A_199 = tpu.vector_load %arg12[%get3A_198] {strides = array<i32>} : memref<8192xi32, #tpu.memory_space<vmem>>, vector<16xi32>,
      %swap3A_200 = arith.index_cast %add3A_197 : i32 to index
      %swap3A_201 = tpu.vector_load %arg13[%swap3A_200] {strides = array<i32>} : memref<8192xi32, #tpu.memory_space<vmem>>, vector<16xi32>,
      tpu.vector_store %arg13[%swap3A_200], %add3A_195 {strides = array<i32>} : memref<8192xi32, #tpu.memory_space<vmem>>, vector<16xi32>,
      %swap3A_202 = arith.index_cast %add3A_197 : i32 to index
      %swap3A_203 = tpu.vector_load %arg12[%swap3A_202] {strides = array<i32>} : memref<8192xi32, #tpu.memory_space<vmem>>, vector<16xi32>,
      tpu.vector_store %arg12[%swap3A_202], %broadcast_in_dim3A_15 {strides = array<i32>} : memref<8192xi32, #tpu.memory_space<vmem>>, vector<16xi32>,
      %add3A_204 = arith.addi %add3A_195, %get3A_199 : vector<16xi32>
      %add3A_205 = arith.constant 7168 : i32
      %add3A_206 = arith.addi %add3A_205, %mul3A_80 : i32
      %get3A_207 = arith.index_cast %add3A_206 : i32 to index
      %get3A_208 = tpu.vector_load %arg12[%get3A_207] {strides = array<i32>} : memref<8192xi32, #tpu.memory_space<vmem>>, vector<16xi32>,
      %swap3A_209 = arith.index_cast %add3A_206 : i32 to index
      %swap3A_210 = tpu.vector_load %arg13[%swap3A_209] {strides = array<i32>} : memref<8192xi32, #tpu.memory_space<vmem>>, vector<16xi32>,
      tpu.vector_store %arg13[%swap3A_209], %add3A_204 {strides = array<i32>} : memref<8192xi32, #tpu.memory_space<vmem>>, vector<16xi32>,
      %swap3A_211 = arith.index_cast %add3A_206 : i32 to index
      %swap3A_212 = tpu.vector_load %arg12[%swap3A_211] {strides = array<i32>} : memref<8192xi32, #tpu.memory_space<vmem>>, vector<16xi32>,
      tpu.vector_store %arg12[%swap3A_211], %broadcast_in_dim3A_15 {strides = array<i32>} : memref<8192xi32, #tpu.memory_space<vmem>>, vector<16xi32>,
      %add3A_213 = arith.addi %add3A_204, %get3A_208 : vector<16xi32>
      %add3A_214 = arith.constant 7680 : i32
      %add3A_215 = arith.addi %add3A_214, %mul3A_80 : i32
      %get3A_216 = arith.index_cast %add3A_215 : i32 to index
      %get3A_217 = tpu.vector_load %arg12[%get3A_216] {strides = array<i32>} : memref<8192xi32, #tpu.memory_space<vmem>>, vector<16xi32>,
      %swap3A_218 = arith.index_cast %add3A_215 : i32 to index
      %swap3A_219 = tpu.vector_load %arg13[%swap3A_218] {strides = array<i32>} : memref<8192xi32, #tpu.memory_space<vmem>>, vector<16xi32>,
      tpu.vector_store %arg13[%swap3A_218], %add3A_213 {strides = array<i32>} : memref<8192xi32, #tpu.memory_space<vmem>>, vector<16xi32>,
      %swap3A_220 = arith.index_cast %add3A_215 : i32 to index
      %swap3A_221 = tpu.vector_load %arg12[%swap3A_220] {strides = array<i32>} : memref<8192xi32, #tpu.memory_space<vmem>>, vector<16xi32>,
      tpu.vector_store %arg12[%swap3A_220], %broadcast_in_dim3A_15 {strides = array<i32>} : memref<8192xi32, #tpu.memory_space<vmem>>, vector<16xi32>,
      %add3A_222 = arith.addi %add3A_213, %get3A_217 : vector<16xi32>
      %swap3A_223 = arith.index_cast %mul3A_80 : i32 to index
      %swap3A_224 = tpu.vector_load %arg14[%swap3A_223] {strides = array<i32>} : memref<512xi32, #tpu.memory_space<vmem>>, vector<16xi32>,
      tpu.vector_store %arg14[%swap3A_223], %add3A_222 {strides = array<i32>} : memref<512xi32, #tpu.memory_space<vmem>>, vector<16xi32>,
    }
    %scan3A_43 = arith.constant 32 : i32
    %scan3A_44 = arith.constant 0 : i32
    %scan3A_45 = arith.constant 0 : i32
    %scan3A_46 = arith.constant 32 : i32
    %scan3A_47 = arith.addi %scan3A_45, %scan3A_46 : i32
    %scan3A_48 = arith.constant 1 : i32
    %scan3A_49 = scf.for %scan3A_78 = %scan3A_45 to %scan3A_47 step %scan3A_48 iter_args(%scan3A_79 = %scan3A_44) -> (i32)  : i32 {
      %mul3A_80 = arith.constant 16 : i32
      %mul3A_81 = arith.muli %scan3A_78, %mul3A_80 : i32
      %get3A = arith.index_cast %mul3A_81 : i32 to index
      %get3A_82 = tpu.vector_load %arg14[%get3A] {strides = array<i32>} : memref<512xi32, #tpu.memory_space<vmem>>, vector<16xi32>,
      %broadcast_in_dim3A_83 = arith.constant true
      %broadcast_in_dim3A_84 = vector.broadcast %broadcast_in_dim3A_83 : i1 to vector<16xi1>
      %masked_cumsum3A = tpu.scan <sum>, %get3A_82 masked %broadcast_in_dim3A_84 : vector<16xi32>, vector<16xi1> -> vector<16xi32>
      %sub3A = arith.subi %masked_cumsum3A, %get3A_82 : vector<16xi32>
      %broadcast_in_dim3A_85 = vector.broadcast %scan3A_79 : i32 to vector<16xi32>
      %add3A_86 = arith.addi %sub3A, %broadcast_in_dim3A_85 : vector<16xi32>
      %swap3A = arith.index_cast %mul3A_81 : i32 to index
      %swap3A_87 = tpu.vector_load %arg14[%swap3A] {strides = array<i32>} : memref<512xi32, #tpu.memory_space<vmem>>, vector<16xi32>,
      tpu.vector_store %arg14[%swap3A], %add3A_86 {strides = array<i32>} : memref<512xi32, #tpu.memory_space<vmem>>, vector<16xi32>,
      %reduce_sum3A = arith.constant true
      %reduce_sum3A_88 = vector.broadcast %reduce_sum3A : i1 to vector<16xi1>
      %reduce_sum3A_89 = tpu.scan <sum>, %get3A_82 masked %reduce_sum3A_88 : vector<16xi32>, vector<16xi1> -> vector<16xi32>
      %reduce_sum3A_90 = vector.extract %reduce_sum3A_89[15] : i32 from vector<16xi32>
      %add3A_91 = arith.addi %scan3A_79, %reduce_sum3A_90 : i32
      scf.yield %add3A_91 : i32
    }
    %scan3A_50 = arith.constant 32 : i32
    %scan3A_51 = arith.constant 0 : i32
    %scan3A_52 = arith.constant 0 : i32
    %scan3A_53 = arith.constant 256 : i32
    %scan3A_54 = arith.addi %scan3A_52, %scan3A_53 : i32
    %scan3A_55 = arith.constant 1 : i32
    scf.for %scan3A_78 = %scan3A_52 to %scan3A_54 step %scan3A_55  : i32 {
      %mul3A_79 = arith.constant 16 : i32
      %mul3A_80 = arith.muli %scan3A_78, %mul3A_79 : i32
      %get3A = arith.index_cast %mul3A_80 : i32 to index
      %get3A_81 = tpu.vector_load %arg6[%get3A] {strides = array<i32>} : memref<4096xi32, #tpu.memory_space<vmem>>, vector<16xi32>,
      %add3A_82 = arith.addi %mul3A_20, %get3A_81 : vector<16xi32>
      %gather3A = tpu.vector_load_idx %arg12[%add3A_82] : memref<8192xi32, #tpu.memory_space<vmem>>[vector<16xi32>], vector<16xi32>,
      tpu.vector_store_idx %arg12[%add3A_82], %broadcast_in_dim3A_17 {add = true} : memref<8192xi32, #tpu.memory_space<vmem>>[vector<16xi32>], vector<16xi32>,
      %gather3A_83 = tpu.vector_load_idx %arg13[%add3A_82] : memref<8192xi32, #tpu.memory_space<vmem>>[vector<16xi32>], vector<16xi32>,
      %gather3A_84 = tpu.vector_load_idx %arg14[%get3A_81] : memref<512xi32, #tpu.memory_space<vmem>>[vector<16xi32>], vector<16xi32>,
      %add3A_85 = arith.addi %gather3A_84, %gather3A_83 : vector<16xi32>
      %add3A_86 = arith.addi %add3A_85, %gather3A : vector<16xi32>
      %add3A_87 = arith.constant 128 : i32
      %add3A_88 = vector.broadcast %add3A_87 : i32 to vector<16xi32>
      %add3A_89 = arith.addi %add3A_86, %add3A_88 : vector<16xi32>
      %get3A_90 = arith.index_cast %mul3A_80 : i32 to index
      %get3A_91 = tpu.vector_load %arg5[%get3A_90] {strides = array<i32>} : memref<12288xf32, #tpu.memory_space<vmem>>, vector<16xf32>,
      tpu.vector_store_idx %arg8[%add3A_89], %get3A_91 : memref<4352xf32, #tpu.memory_space<vmem>>[vector<16xi32>], vector<16xf32>,
      %add3A_92 = arith.constant 4096 : i32
      %add3A_93 = arith.addi %add3A_92, %mul3A_80 : i32
      %get3A_94 = arith.index_cast %add3A_93 : i32 to index
      %get3A_95 = tpu.vector_load %arg5[%get3A_94] {strides = array<i32>} : memref<12288xf32, #tpu.memory_space<vmem>>, vector<16xf32>,
      tpu.vector_store_idx %arg9[%add3A_89], %get3A_95 : memref<4352xf32, #tpu.memory_space<vmem>>[vector<16xi32>], vector<16xf32>,
      %add3A_96 = arith.constant 8192 : i32
      %add3A_97 = arith.addi %add3A_96, %mul3A_80 : i32
      %get3A_98 = arith.index_cast %add3A_97 : i32 to index
      %get3A_99 = tpu.vector_load %arg5[%get3A_98] {strides = array<i32>} : memref<12288xf32, #tpu.memory_space<vmem>>, vector<16xf32>,
      tpu.vector_store_idx %arg10[%add3A_89], %get3A_99 : memref<4352xf32, #tpu.memory_space<vmem>>[vector<16xi32>], vector<16xf32>,
      tpu.vector_store_idx %arg11[%add3A_89], %get3A_81 : memref<4352xi32, #tpu.memory_space<vmem>>[vector<16xi32>], vector<16xi32>,
      %swap3A = arith.index_cast %mul3A_80 : i32 to index
      %swap3A_100 = tpu.vector_load %arg7[%swap3A] {strides = array<i32>} : memref<4096xi32, #tpu.memory_space<vmem>>, vector<16xi32>,
      tpu.vector_store %arg7[%swap3A], %add3A_89 {strides = array<i32>} : memref<4096xi32, #tpu.memory_space<vmem>>, vector<16xi32>,
    }
    %scan3A_56 = arith.constant 256 : i32
    %scan3A_57 = arith.constant 0 : i32
    %scan3A_58 = arith.constant 0x7F800000 : f32
    %scan3A_59 = arith.constant 0 : i32
    %scan3A_60 = arith.constant 128 : i32
    %scan3A_61 = arith.addi %scan3A_59, %scan3A_60 : i32
    %scan3A_62 = arith.constant 1 : i32
    scf.for %scan3A_78 = %scan3A_59 to %scan3A_61 step %scan3A_62  : i32 {
      %add3A_79 = arith.addi %mul3A_2, %scan3A_78 : i32
      %broadcast_in_dim3A_80 = vector.broadcast %add3A_79 : i32 to vector<16xi32>
      %gather3A = tpu.vector_load_idx %arg5[%broadcast_in_dim3A_80] : memref<12288xf32, #tpu.memory_space<vmem>>[vector<16xi32>], vector<16xf32>,
      %add3A_81 = arith.constant 4096 : i32
      %add3A_82 = vector.broadcast %add3A_81 : i32 to vector<16xi32>
      %add3A_83 = arith.addi %broadcast_in_dim3A_80, %add3A_82 : vector<16xi32>
      %gather3A_84 = tpu.vector_load_idx %arg5[%add3A_83] : memref<12288xf32, #tpu.memory_space<vmem>>[vector<16xi32>], vector<16xf32>,
      %add3A_85 = arith.constant 8192 : i32
      %add3A_86 = vector.broadcast %add3A_85 : i32 to vector<16xi32>
      %add3A_87 = arith.addi %broadcast_in_dim3A_80, %add3A_86 : vector<16xi32>
      %gather3A_88 = tpu.vector_load_idx %arg5[%add3A_87] : memref<12288xf32, #tpu.memory_space<vmem>>[vector<16xi32>], vector<16xf32>,
      %gather3A_89 = tpu.vector_load_idx %arg6[%broadcast_in_dim3A_80] : memref<4096xi32, #tpu.memory_space<vmem>>[vector<16xi32>], vector<16xi32>,
      %gather3A_90 = tpu.vector_load_idx %arg7[%broadcast_in_dim3A_80] : memref<4096xi32, #tpu.memory_space<vmem>>[vector<16xi32>], vector<16xi32>,
      %gather3A_91 = tpu.vector_load_idx %arg14[%gather3A_89] : memref<512xi32, #tpu.memory_space<vmem>>[vector<16xi32>], vector<16xi32>,
      %reduce_min3A = arith.constant true
      %reduce_min3A_92 = vector.broadcast %reduce_min3A : i1 to vector<16xi1>
      %reduce_min3A_93 = arith.constant -2147483648 : i32
      %reduce_min3A_94 = vector.broadcast %reduce_min3A_93 : i32 to vector<16xi32>
      %reduce_min3A_95 = arith.xori %gather3A_91, %reduce_min3A_94 : vector<16xi32>
      %reduce_min3A_96 = tpu.scan <min>, %reduce_min3A_95 masked %reduce_min3A_92 : vector<16xi32>, vector<16xi1> -> vector<16xi32>
      %reduce_min3A_97 = arith.xori %reduce_min3A_96, %reduce_min3A_94 : vector<16xi32>
      %reduce_min3A_98 = vector.extract %reduce_min3A_97[15] : i32 from vector<16xi32>
      %add3A_99 = arith.constant 128 : i32
      %add3A_100 = arith.addi %reduce_min3A_98, %add3A_99 : i32
      tpu.vector_store_idx %arg8[%gather3A_90], %broadcast_in_dim3A_11 masked %eq3A_10 : memref<4352xf32, #tpu.memory_space<vmem>>[vector<16xi32>], vector<16xf32>, vector<16xi1>
      %while3A = arith.constant 1 : i32
      %while3A_101:5 = scf.while (%while3A_151 = %add3A_100, %while3A_152 = %while3A, %while3A_153 = %broadcast_in_dim3A_11, %while3A_154 = %broadcast_in_dim3A_11, %while3A_155 = %broadcast_in_dim3A_11) : (i32, i32, vector<16xf32>, vector<16xf32>, vector<16xf32>) -> (i32, i32, vector<16xf32>, vector<16xf32>, vector<16xf32>) {
        %gt3A = arith.constant 0 : i32
        %gt3A_156 = arith.cmpi sgt, %while3A_152, %gt3A : i32
        scf.condition(%gt3A_156) %while3A_151, %while3A_152, %while3A_153, %while3A_154, %while3A_155 : i32, i32, vector<16xf32>, vector<16xf32>, vector<16xf32>
      } do {
      ^bb0(%while3A_151: i32, %while3A_152: i32, %while3A_153: vector<16xf32>, %while3A_154: vector<16xf32>, %while3A_155: vector<16xf32>):
        %broadcast_in_dim3A_156 = vector.broadcast %while3A_151 : i32 to vector<16xi32>
        %gather3A_157 = tpu.vector_load_idx %arg11[%broadcast_in_dim3A_156] : memref<4352xi32, #tpu.memory_space<vmem>>[vector<16xi32>], vector<16xi32>,
        %eq3A_158 = arith.constant 0 : i32
        %eq3A_159 = vector.broadcast %eq3A_158 : i32 to vector<16xi32>
        %eq3A_160 = arith.cmpi eq, %gather3A_157, %eq3A_159 : vector<16xi32>
        %convert_element_type3A = arith.sitofp %gather3A_157 : vector<16xi32> to vector<16xf32>
        %mul3A_161 = arith.constant 6.250000e-02 : f32
        %mul3A_162 = vector.broadcast %mul3A_161 : f32 to vector<16xf32>
        %mul3A_163 = arith.mulf %convert_element_type3A, %mul3A_162 : vector<16xf32>
        %add3A_164 = arith.constant -1.600000e+01 : f32
        %add3A_165 = vector.broadcast %add3A_164 : f32 to vector<16xf32>
        %add3A_166 = arith.addf %mul3A_163, %add3A_165 : vector<16xf32>
        %jit3A = arith.constant -3.000000e+38 : f32
        %broadcast_in_dim3A_167 = vector.broadcast %jit3A : f32 to vector<16xf32>
        %select_n3A_168 = arith.select %eq3A_160, %broadcast_in_dim3A_167, %add3A_166 : vector<16xi1>, vector<16xf32>
        %sub3A = arith.subf %select_n3A_168, %gather3A : vector<16xf32>
        %mul3A_169 = arith.mulf %sub3A, %sub3A : vector<16xf32>
        %gt3A = arith.constant 0.000000e+00 : f32
        %gt3A_170 = vector.broadcast %gt3A : f32 to vector<16xf32>
        %gt3A_171 = arith.cmpf ogt, %sub3A, %gt3A_170 : vector<16xf32>
        %lt3A = arith.cmpf olt, %while3A_153, %mul3A_169 : vector<16xf32>
        %and3A = arith.andi %gt3A_171, %lt3A : vector<16xi1>
        %convert_element_type3A_172 = arith.extui %and3A : vector<16xi1> to vector<16xi32>
        %lt3A_173 = arith.cmpf olt, %while3A_154, %mul3A_169 : vector<16xf32>
        %and3A_174 = arith.andi %gt3A_171, %lt3A_173 : vector<16xi1>
        %convert_element_type3A_175 = arith.extui %and3A_174 : vector<16xi1> to vector<16xi32>
        %add3A_176 = arith.addi %convert_element_type3A_172, %convert_element_type3A_175 : vector<16xi32>
        %lt3A_177 = arith.cmpf olt, %while3A_155, %mul3A_169 : vector<16xf32>
        %and3A_178 = arith.andi %gt3A_171, %lt3A_177 : vector<16xi1>
        %convert_element_type3A_179 = arith.extui %and3A_178 : vector<16xi1> to vector<16xi32>
        %add3A_180 = arith.addi %add3A_176, %convert_element_type3A_179 : vector<16xi32>
        %reduce_sum3A = arith.constant true
        %reduce_sum3A_181 = vector.broadcast %reduce_sum3A : i1 to vector<16xi1>
        %reduce_sum3A_182 = tpu.scan <sum>, %add3A_180 masked %reduce_sum3A_181 : vector<16xi32>, vector<16xi1> -> vector<16xi32>
        %reduce_sum3A_183 = vector.extract %reduce_sum3A_182[15] : i32 from vector<16xi32>
        %ge3A = arith.constant 3 : i32
        %ge3A_184 = arith.cmpi sge, %reduce_sum3A_183, %ge3A : i32
        %add3A_185 = arith.constant 128 : i32
        %add3A_186 = arith.addi %while3A_151, %add3A_185 : i32
        %ge3A_187 = arith.constant 4224 : i32
        %ge3A_188 = arith.cmpi sge, %add3A_186, %ge3A_187 : i32
        %or3A = arith.ori %ge3A_184, %ge3A_188 : i1
        %add3A_189 = arith.constant 0 : i32
        %add3A_190 = arith.addi %while3A_151, %add3A_189 : i32
        %get3A = arith.index_cast %add3A_190 : i32 to index
        %get3A_191 = tpu.vector_load %arg8[%get3A] {strides = array<i32>} : memref<4352xf32, #tpu.memory_space<vmem>>, vector<16xf32>,
        %sub3A_192 = arith.subf %get3A_191, %gather3A : vector<16xf32>
        %mul3A_193 = arith.mulf %sub3A_192, %sub3A_192 : vector<16xf32>
        %get3A_194 = arith.index_cast %add3A_190 : i32 to index
        %get3A_195 = tpu.vector_load %arg9[%get3A_194] {strides = array<i32>} : memref<4352xf32, #tpu.memory_space<vmem>>, vector<16xf32>,
        %sub3A_196 = arith.subf %get3A_195, %gather3A_84 : vector<16xf32>
        %mul3A_197 = arith.mulf %sub3A_196, %sub3A_196 : vector<16xf32>
        %add3A_198 = arith.addf %mul3A_193, %mul3A_197 : vector<16xf32>
        %get3A_199 = arith.index_cast %add3A_190 : i32 to index
        %get3A_200 = tpu.vector_load %arg10[%get3A_199] {strides = array<i32>} : memref<4352xf32, #tpu.memory_space<vmem>>, vector<16xf32>,
        %sub3A_201 = arith.subf %get3A_200, %gather3A_88 : vector<16xf32>
        %mul3A_202 = arith.mulf %sub3A_201, %sub3A_201 : vector<16xf32>
        %add3A_203 = arith.addf %add3A_198, %mul3A_202 : vector<16xf32>
        %min3A = arith.minimumf %while3A_153, %add3A_203 : vector<16xf32>
        %max3A = arith.maximumf %while3A_153, %add3A_203 : vector<16xf32>
        %min3A_204 = arith.minimumf %while3A_154, %max3A : vector<16xf32>
        %max3A_205 = arith.maximumf %while3A_154, %max3A : vector<16xf32>
        %min3A_206 = arith.minimumf %while3A_155, %max3A_205 : vector<16xf32>
        %add3A_207 = arith.constant 16 : i32
        %add3A_208 = arith.addi %while3A_151, %add3A_207 : i32
        %get3A_209 = arith.index_cast %add3A_208 : i32 to index
        %get3A_210 = tpu.vector_load %arg8[%get3A_209] {strides = array<i32>} : memref<4352xf32, #tpu.memory_space<vmem>>, vector<16xf32>,
        %sub3A_211 = arith.subf %get3A_210, %gather3A : vector<16xf32>
        %mul3A_212 = arith.mulf %sub3A_211, %sub3A_211 : vector<16xf32>
        %get3A_213 = arith.index_cast %add3A_208 : i32 to index
        %get3A_214 = tpu.vector_load %arg9[%get3A_213] {strides = array<i32>} : memref<4352xf32, #tpu.memory_space<vmem>>, vector<16xf32>,
        %sub3A_215 = arith.subf %get3A_214, %gather3A_84 : vector<16xf32>
        %mul3A_216 = arith.mulf %sub3A_215, %sub3A_215 : vector<16xf32>
        %add3A_217 = arith.addf %mul3A_212, %mul3A_216 : vector<16xf32>
        %get3A_218 = arith.index_cast %add3A_208 : i32 to index
        %get3A_219 = tpu.vector_load %arg10[%get3A_218] {strides = array<i32>} : memref<4352xf32, #tpu.memory_space<vmem>>, vector<16xf32>,
        %sub3A_220 = arith.subf %get3A_219, %gather3A_88 : vector<16xf32>
        %mul3A_221 = arith.mulf %sub3A_220, %sub3A_220 : vector<16xf32>
        %add3A_222 = arith.addf %add3A_217, %mul3A_221 : vector<16xf32>
        %min3A_223 = arith.minimumf %min3A, %add3A_222 : vector<16xf32>
        %max3A_224 = arith.maximumf %min3A, %add3A_222 : vector<16xf32>
        %min3A_225 = arith.minimumf %min3A_204, %max3A_224 : vector<16xf32>
        %max3A_226 = arith.maximumf %min3A_204, %max3A_224 : vector<16xf32>
        %min3A_227 = arith.minimumf %min3A_206, %max3A_226 : vector<16xf32>
        %add3A_228 = arith.constant 32 : i32
        %add3A_229 = arith.addi %while3A_151, %add3A_228 : i32
        %get3A_230 = arith.index_cast %add3A_229 : i32 to index
        %get3A_231 = tpu.vector_load %arg8[%get3A_230] {strides = array<i32>} : memref<4352xf32, #tpu.memory_space<vmem>>, vector<16xf32>,
        %sub3A_232 = arith.subf %get3A_231, %gather3A : vector<16xf32>
        %mul3A_233 = arith.mulf %sub3A_232, %sub3A_232 : vector<16xf32>
        %get3A_234 = arith.index_cast %add3A_229 : i32 to index
        %get3A_235 = tpu.vector_load %arg9[%get3A_234] {strides = array<i32>} : memref<4352xf32, #tpu.memory_space<vmem>>, vector<16xf32>,
        %sub3A_236 = arith.subf %get3A_235, %gather3A_84 : vector<16xf32>
        %mul3A_237 = arith.mulf %sub3A_236, %sub3A_236 : vector<16xf32>
        %add3A_238 = arith.addf %mul3A_233, %mul3A_237 : vector<16xf32>
        %get3A_239 = arith.index_cast %add3A_229 : i32 to index
        %get3A_240 = tpu.vector_load %arg10[%get3A_239] {strides = array<i32>} : memref<4352xf32, #tpu.memory_space<vmem>>, vector<16xf32>,
        %sub3A_241 = arith.subf %get3A_240, %gather3A_88 : vector<16xf32>
        %mul3A_242 = arith.mulf %sub3A_241, %sub3A_241 : vector<16xf32>
        %add3A_243 = arith.addf %add3A_238, %mul3A_242 : vector<16xf32>
        %min3A_244 = arith.minimumf %min3A_223, %add3A_243 : vector<16xf32>
        %max3A_245 = arith.maximumf %min3A_223, %add3A_243 : vector<16xf32>
        %min3A_246 = arith.minimumf %min3A_225, %max3A_245 : vector<16xf32>
        %max3A_247 = arith.maximumf %min3A_225, %max3A_245 : vector<16xf32>
        %min3A_248 = arith.minimumf %min3A_227, %max3A_247 : vector<16xf32>
        %add3A_249 = arith.constant 48 : i32
        %add3A_250 = arith.addi %while3A_151, %add3A_249 : i32
        %get3A_251 = arith.index_cast %add3A_250 : i32 to index
        %get3A_252 = tpu.vector_load %arg8[%get3A_251] {strides = array<i32>} : memref<4352xf32, #tpu.memory_space<vmem>>, vector<16xf32>,
        %sub3A_253 = arith.subf %get3A_252, %gather3A : vector<16xf32>
        %mul3A_254 = arith.mulf %sub3A_253, %sub3A_253 : vector<16xf32>
        %get3A_255 = arith.index_cast %add3A_250 : i32 to index
        %get3A_256 = tpu.vector_load %arg9[%get3A_255] {strides = array<i32>} : memref<4352xf32, #tpu.memory_space<vmem>>, vector<16xf32>,
        %sub3A_257 = arith.subf %get3A_256, %gather3A_84 : vector<16xf32>
        %mul3A_258 = arith.mulf %sub3A_257, %sub3A_257 : vector<16xf32>
        %add3A_259 = arith.addf %mul3A_254, %mul3A_258 : vector<16xf32>
        %get3A_260 = arith.index_cast %add3A_250 : i32 to index
        %get3A_261 = tpu.vector_load %arg10[%get3A_260] {strides = array<i32>} : memref<4352xf32, #tpu.memory_space<vmem>>, vector<16xf32>,
        %sub3A_262 = arith.subf %get3A_261, %gather3A_88 : vector<16xf32>
        %mul3A_263 = arith.mulf %sub3A_262, %sub3A_262 : vector<16xf32>
        %add3A_264 = arith.addf %add3A_259, %mul3A_263 : vector<16xf32>
        %min3A_265 = arith.minimumf %min3A_244, %add3A_264 : vector<16xf32>
        %max3A_266 = arith.maximumf %min3A_244, %add3A_264 : vector<16xf32>
        %min3A_267 = arith.minimumf %min3A_246, %max3A_266 : vector<16xf32>
        %max3A_268 = arith.maximumf %min3A_246, %max3A_266 : vector<16xf32>
        %min3A_269 = arith.minimumf %min3A_248, %max3A_268 : vector<16xf32>
        %add3A_270 = arith.constant 64 : i32
        %add3A_271 = arith.addi %while3A_151, %add3A_270 : i32
        %get3A_272 = arith.index_cast %add3A_271 : i32 to index
        %get3A_273 = tpu.vector_load %arg8[%get3A_272] {strides = array<i32>} : memref<4352xf32, #tpu.memory_space<vmem>>, vector<16xf32>,
        %sub3A_274 = arith.subf %get3A_273, %gather3A : vector<16xf32>
        %mul3A_275 = arith.mulf %sub3A_274, %sub3A_274 : vector<16xf32>
        %get3A_276 = arith.index_cast %add3A_271 : i32 to index
        %get3A_277 = tpu.vector_load %arg9[%get3A_276] {strides = array<i32>} : memref<4352xf32, #tpu.memory_space<vmem>>, vector<16xf32>,
        %sub3A_278 = arith.subf %get3A_277, %gather3A_84 : vector<16xf32>
        %mul3A_279 = arith.mulf %sub3A_278, %sub3A_278 : vector<16xf32>
        %add3A_280 = arith.addf %mul3A_275, %mul3A_279 : vector<16xf32>
        %get3A_281 = arith.index_cast %add3A_271 : i32 to index
        %get3A_282 = tpu.vector_load %arg10[%get3A_281] {strides = array<i32>} : memref<4352xf32, #tpu.memory_space<vmem>>, vector<16xf32>,
        %sub3A_283 = arith.subf %get3A_282, %gather3A_88 : vector<16xf32>
        %mul3A_284 = arith.mulf %sub3A_283, %sub3A_283 : vector<16xf32>
        %add3A_285 = arith.addf %add3A_280, %mul3A_284 : vector<16xf32>
        %min3A_286 = arith.minimumf %min3A_265, %add3A_285 : vector<16xf32>
        %max3A_287 = arith.maximumf %min3A_265, %add3A_285 : vector<16xf32>
        %min3A_288 = arith.minimumf %min3A_267, %max3A_287 : vector<16xf32>
        %max3A_289 = arith.maximumf %min3A_267, %max3A_287 : vector<16xf32>
        %min3A_290 = arith.minimumf %min3A_269, %max3A_289 : vector<16xf32>
        %add3A_291 = arith.constant 80 : i32
        %add3A_292 = arith.addi %while3A_151, %add3A_291 : i32
        %get3A_293 = arith.index_cast %add3A_292 : i32 to index
        %get3A_294 = tpu.vector_load %arg8[%get3A_293] {strides = array<i32>} : memref<4352xf32, #tpu.memory_space<vmem>>, vector<16xf32>,
        %sub3A_295 = arith.subf %get3A_294, %gather3A : vector<16xf32>
        %mul3A_296 = arith.mulf %sub3A_295, %sub3A_295 : vector<16xf32>
        %get3A_297 = arith.index_cast %add3A_292 : i32 to index
        %get3A_298 = tpu.vector_load %arg9[%get3A_297] {strides = array<i32>} : memref<4352xf32, #tpu.memory_space<vmem>>, vector<16xf32>,
        %sub3A_299 = arith.subf %get3A_298, %gather3A_84 : vector<16xf32>
        %mul3A_300 = arith.mulf %sub3A_299, %sub3A_299 : vector<16xf32>
        %add3A_301 = arith.addf %mul3A_296, %mul3A_300 : vector<16xf32>
        %get3A_302 = arith.index_cast %add3A_292 : i32 to index
        %get3A_303 = tpu.vector_load %arg10[%get3A_302] {strides = array<i32>} : memref<4352xf32, #tpu.memory_space<vmem>>, vector<16xf32>,
        %sub3A_304 = arith.subf %get3A_303, %gather3A_88 : vector<16xf32>
        %mul3A_305 = arith.mulf %sub3A_304, %sub3A_304 : vector<16xf32>
        %add3A_306 = arith.addf %add3A_301, %mul3A_305 : vector<16xf32>
        %min3A_307 = arith.minimumf %min3A_286, %add3A_306 : vector<16xf32>
        %max3A_308 = arith.maximumf %min3A_286, %add3A_306 : vector<16xf32>
        %min3A_309 = arith.minimumf %min3A_288, %max3A_308 : vector<16xf32>
        %max3A_310 = arith.maximumf %min3A_288, %max3A_308 : vector<16xf32>
        %min3A_311 = arith.minimumf %min3A_290, %max3A_310 : vector<16xf32>
        %add3A_312 = arith.constant 96 : i32
        %add3A_313 = arith.addi %while3A_151, %add3A_312 : i32
        %get3A_314 = arith.index_cast %add3A_313 : i32 to index
        %get3A_315 = tpu.vector_load %arg8[%get3A_314] {strides = array<i32>} : memref<4352xf32, #tpu.memory_space<vmem>>, vector<16xf32>,
        %sub3A_316 = arith.subf %get3A_315, %gather3A : vector<16xf32>
        %mul3A_317 = arith.mulf %sub3A_316, %sub3A_316 : vector<16xf32>
        %get3A_318 = arith.index_cast %add3A_313 : i32 to index
        %get3A_319 = tpu.vector_load %arg9[%get3A_318] {strides = array<i32>} : memref<4352xf32, #tpu.memory_space<vmem>>, vector<16xf32>,
        %sub3A_320 = arith.subf %get3A_319, %gather3A_84 : vector<16xf32>
        %mul3A_321 = arith.mulf %sub3A_320, %sub3A_320 : vector<16xf32>
        %add3A_322 = arith.addf %mul3A_317, %mul3A_321 : vector<16xf32>
        %get3A_323 = arith.index_cast %add3A_313 : i32 to index
        %get3A_324 = tpu.vector_load %arg10[%get3A_323] {strides = array<i32>} : memref<4352xf32, #tpu.memory_space<vmem>>, vector<16xf32>,
        %sub3A_325 = arith.subf %get3A_324, %gather3A_88 : vector<16xf32>
        %mul3A_326 = arith.mulf %sub3A_325, %sub3A_325 : vector<16xf32>
        %add3A_327 = arith.addf %add3A_322, %mul3A_326 : vector<16xf32>
        %min3A_328 = arith.minimumf %min3A_307, %add3A_327 : vector<16xf32>
        %max3A_329 = arith.maximumf %min3A_307, %add3A_327 : vector<16xf32>
        %min3A_330 = arith.minimumf %min3A_309, %max3A_329 : vector<16xf32>
        %max3A_331 = arith.maximumf %min3A_309, %max3A_329 : vector<16xf32>
        %min3A_332 = arith.minimumf %min3A_311, %max3A_331 : vector<16xf32>
        %add3A_333 = arith.constant 112 : i32
        %add3A_334 = arith.addi %while3A_151, %add3A_333 : i32
        %get3A_335 = arith.index_cast %add3A_334 : i32 to index
        %get3A_336 = tpu.vector_load %arg8[%get3A_335] {strides = array<i32>} : memref<4352xf32, #tpu.memory_space<vmem>>, vector<16xf32>,
        %sub3A_337 = arith.subf %get3A_336, %gather3A : vector<16xf32>
        %mul3A_338 = arith.mulf %sub3A_337, %sub3A_337 : vector<16xf32>
        %get3A_339 = arith.index_cast %add3A_334 : i32 to index
        %get3A_340 = tpu.vector_load %arg9[%get3A_339] {strides = array<i32>} : memref<4352xf32, #tpu.memory_space<vmem>>, vector<16xf32>,
        %sub3A_341 = arith.subf %get3A_340, %gather3A_84 : vector<16xf32>
        %mul3A_342 = arith.mulf %sub3A_341, %sub3A_341 : vector<16xf32>
        %add3A_343 = arith.addf %mul3A_338, %mul3A_342 : vector<16xf32>
        %get3A_344 = arith.index_cast %add3A_334 : i32 to index
        %get3A_345 = tpu.vector_load %arg10[%get3A_344] {strides = array<i32>} : memref<4352xf32, #tpu.memory_space<vmem>>, vector<16xf32>,
        %sub3A_346 = arith.subf %get3A_345, %gather3A_88 : vector<16xf32>
        %mul3A_347 = arith.mulf %sub3A_346, %sub3A_346 : vector<16xf32>
        %add3A_348 = arith.addf %add3A_343, %mul3A_347 : vector<16xf32>
        %min3A_349 = arith.minimumf %min3A_328, %add3A_348 : vector<16xf32>
        %max3A_350 = arith.maximumf %min3A_328, %add3A_348 : vector<16xf32>
        %min3A_351 = arith.minimumf %min3A_330, %max3A_350 : vector<16xf32>
        %max3A_352 = arith.maximumf %min3A_330, %max3A_350 : vector<16xf32>
        %min3A_353 = arith.minimumf %min3A_332, %max3A_352 : vector<16xf32>
        %add3A_354 = arith.constant 128 : i32
        %add3A_355 = arith.addi %while3A_151, %add3A_354 : i32
        %jit3A_356 = arith.constant 0 : i32
        %jit3A_357 = arith.constant 1 : i32
        %select_n3A_358 = arith.select %or3A, %jit3A_356, %jit3A_357 : i32
        scf.yield %add3A_355, %select_n3A_358, %min3A_349, %min3A_351, %min3A_353 : i32, i32, vector<16xf32>, vector<16xf32>, vector<16xf32>
      }
      %while3A_102 = arith.constant 1 : i32
      %while3A_103:5 = scf.while (%while3A_151 = %add3A_100, %while3A_152 = %while3A_102, %while3A_153 = %while3A_101#2, %while3A_154 = %while3A_101#3, %while3A_155 = %while3A_101#4) : (i32, i32, vector<16xf32>, vector<16xf32>, vector<16xf32>) -> (i32, i32, vector<16xf32>, vector<16xf32>, vector<16xf32>) {
        %gt3A = arith.constant 0 : i32
        %gt3A_156 = arith.cmpi sgt, %while3A_152, %gt3A : i32
        scf.condition(%gt3A_156) %while3A_151, %while3A_152, %while3A_153, %while3A_154, %while3A_155 : i32, i32, vector<16xf32>, vector<16xf32>, vector<16xf32>
      } do {
      ^bb0(%while3A_151: i32, %while3A_152: i32, %while3A_153: vector<16xf32>, %while3A_154: vector<16xf32>, %while3A_155: vector<16xf32>):
        %sub3A = arith.constant 1 : i32
        %sub3A_156 = arith.subi %while3A_151, %sub3A : i32
        %broadcast_in_dim3A_157 = vector.broadcast %sub3A_156 : i32 to vector<16xi32>
        %gather3A_158 = tpu.vector_load_idx %arg11[%broadcast_in_dim3A_157] : memref<4352xi32, #tpu.memory_space<vmem>>[vector<16xi32>], vector<16xi32>,
        %eq3A_159 = arith.constant 511 : i32
        %eq3A_160 = vector.broadcast %eq3A_159 : i32 to vector<16xi32>
        %eq3A_161 = arith.cmpi eq, %gather3A_158, %eq3A_160 : vector<16xi32>
        %add3A_162 = arith.constant 1 : i32
        %add3A_163 = vector.broadcast %add3A_162 : i32 to vector<16xi32>
        %add3A_164 = arith.addi %gather3A_158, %add3A_163 : vector<16xi32>
        %convert_element_type3A = arith.sitofp %add3A_164 : vector<16xi32> to vector<16xf32>
        %mul3A_165 = arith.constant 6.250000e-02 : f32
        %mul3A_166 = vector.broadcast %mul3A_165 : f32 to vector<16xf32>
        %mul3A_167 = arith.mulf %convert_element_type3A, %mul3A_166 : vector<16xf32>
        %add3A_168 = arith.constant -1.600000e+01 : f32
        %add3A_169 = vector.broadcast %add3A_168 : f32 to vector<16xf32>
        %add3A_170 = arith.addf %mul3A_167, %add3A_169 : vector<16xf32>
        %jit3A = arith.constant 3.000000e+38 : f32
        %broadcast_in_dim3A_171 = vector.broadcast %jit3A : f32 to vector<16xf32>
        %select_n3A_172 = arith.select %eq3A_161, %broadcast_in_dim3A_171, %add3A_170 : vector<16xi1>, vector<16xf32>
        %sub3A_173 = arith.subf %gather3A, %select_n3A_172 : vector<16xf32>
        %mul3A_174 = arith.mulf %sub3A_173, %sub3A_173 : vector<16xf32>
        %gt3A = arith.constant 0.000000e+00 : f32
        %gt3A_175 = vector.broadcast %gt3A : f32 to vector<16xf32>
        %gt3A_176 = arith.cmpf ogt, %sub3A_173, %gt3A_175 : vector<16xf32>
        %lt3A = arith.cmpf olt, %while3A_153, %mul3A_174 : vector<16xf32>
        %and3A = arith.andi %gt3A_176, %lt3A : vector<16xi1>
        %convert_element_type3A_177 = arith.extui %and3A : vector<16xi1> to vector<16xi32>
        %lt3A_178 = arith.cmpf olt, %while3A_154, %mul3A_174 : vector<16xf32>
        %and3A_179 = arith.andi %gt3A_176, %lt3A_178 : vector<16xi1>
        %convert_element_type3A_180 = arith.extui %and3A_179 : vector<16xi1> to vector<16xi32>
        %add3A_181 = arith.addi %convert_element_type3A_177, %convert_element_type3A_180 : vector<16xi32>
        %lt3A_182 = arith.cmpf olt, %while3A_155, %mul3A_174 : vector<16xf32>
        %and3A_183 = arith.andi %gt3A_176, %lt3A_182 : vector<16xi1>
        %convert_element_type3A_184 = arith.extui %and3A_183 : vector<16xi1> to vector<16xi32>
        %add3A_185 = arith.addi %add3A_181, %convert_element_type3A_184 : vector<16xi32>
        %reduce_sum3A = arith.constant true
        %reduce_sum3A_186 = vector.broadcast %reduce_sum3A : i1 to vector<16xi1>
        %reduce_sum3A_187 = tpu.scan <sum>, %add3A_185 masked %reduce_sum3A_186 : vector<16xi32>, vector<16xi1> -> vector<16xi32>
        %reduce_sum3A_188 = vector.extract %reduce_sum3A_187[15] : i32 from vector<16xi32>
        %ge3A = arith.constant 3 : i32
        %ge3A_189 = arith.cmpi sge, %reduce_sum3A_188, %ge3A : i32
        %sub3A_190 = arith.constant 128 : i32
        %sub3A_191 = arith.subi %while3A_151, %sub3A_190 : i32
        %le3A = arith.constant 128 : i32
        %le3A_192 = arith.cmpi sle, %sub3A_191, %le3A : i32
        %or3A = arith.ori %ge3A_189, %le3A_192 : i1
        %sub3A_193 = arith.constant 16 : i32
        %sub3A_194 = arith.subi %while3A_151, %sub3A_193 : i32
        %get3A = arith.index_cast %sub3A_194 : i32 to index
        %get3A_195 = tpu.vector_load %arg8[%get3A] {strides = array<i32>} : memref<4352xf32, #tpu.memory_space<vmem>>, vector<16xf32>,
        %sub3A_196 = arith.subf %get3A_195, %gather3A : vector<16xf32>
        %mul3A_197 = arith.mulf %sub3A_196, %sub3A_196 : vector<16xf32>
        %get3A_198 = arith.index_cast %sub3A_194 : i32 to index
        %get3A_199 = tpu.vector_load %arg9[%get3A_198] {strides = array<i32>} : memref<4352xf32, #tpu.memory_space<vmem>>, vector<16xf32>,
        %sub3A_200 = arith.subf %get3A_199, %gather3A_84 : vector<16xf32>
        %mul3A_201 = arith.mulf %sub3A_200, %sub3A_200 : vector<16xf32>
        %add3A_202 = arith.addf %mul3A_197, %mul3A_201 : vector<16xf32>
        %get3A_203 = arith.index_cast %sub3A_194 : i32 to index
        %get3A_204 = tpu.vector_load %arg10[%get3A_203] {strides = array<i32>} : memref<4352xf32, #tpu.memory_space<vmem>>, vector<16xf32>,
        %sub3A_205 = arith.subf %get3A_204, %gather3A_88 : vector<16xf32>
        %mul3A_206 = arith.mulf %sub3A_205, %sub3A_205 : vector<16xf32>
        %add3A_207 = arith.addf %add3A_202, %mul3A_206 : vector<16xf32>
        %min3A = arith.minimumf %while3A_153, %add3A_207 : vector<16xf32>
        %max3A = arith.maximumf %while3A_153, %add3A_207 : vector<16xf32>
        %min3A_208 = arith.minimumf %while3A_154, %max3A : vector<16xf32>
        %max3A_209 = arith.maximumf %while3A_154, %max3A : vector<16xf32>
        %min3A_210 = arith.minimumf %while3A_155, %max3A_209 : vector<16xf32>
        %sub3A_211 = arith.constant 32 : i32
        %sub3A_212 = arith.subi %while3A_151, %sub3A_211 : i32
        %get3A_213 = arith.index_cast %sub3A_212 : i32 to index
        %get3A_214 = tpu.vector_load %arg8[%get3A_213] {strides = array<i32>} : memref<4352xf32, #tpu.memory_space<vmem>>, vector<16xf32>,
        %sub3A_215 = arith.subf %get3A_214, %gather3A : vector<16xf32>
        %mul3A_216 = arith.mulf %sub3A_215, %sub3A_215 : vector<16xf32>
        %get3A_217 = arith.index_cast %sub3A_212 : i32 to index
        %get3A_218 = tpu.vector_load %arg9[%get3A_217] {strides = array<i32>} : memref<4352xf32, #tpu.memory_space<vmem>>, vector<16xf32>,
        %sub3A_219 = arith.subf %get3A_218, %gather3A_84 : vector<16xf32>
        %mul3A_220 = arith.mulf %sub3A_219, %sub3A_219 : vector<16xf32>
        %add3A_221 = arith.addf %mul3A_216, %mul3A_220 : vector<16xf32>
        %get3A_222 = arith.index_cast %sub3A_212 : i32 to index
        %get3A_223 = tpu.vector_load %arg10[%get3A_222] {strides = array<i32>} : memref<4352xf32, #tpu.memory_space<vmem>>, vector<16xf32>,
        %sub3A_224 = arith.subf %get3A_223, %gather3A_88 : vector<16xf32>
        %mul3A_225 = arith.mulf %sub3A_224, %sub3A_224 : vector<16xf32>
        %add3A_226 = arith.addf %add3A_221, %mul3A_225 : vector<16xf32>
        %min3A_227 = arith.minimumf %min3A, %add3A_226 : vector<16xf32>
        %max3A_228 = arith.maximumf %min3A, %add3A_226 : vector<16xf32>
        %min3A_229 = arith.minimumf %min3A_208, %max3A_228 : vector<16xf32>
        %max3A_230 = arith.maximumf %min3A_208, %max3A_228 : vector<16xf32>
        %min3A_231 = arith.minimumf %min3A_210, %max3A_230 : vector<16xf32>
        %sub3A_232 = arith.constant 48 : i32
        %sub3A_233 = arith.subi %while3A_151, %sub3A_232 : i32
        %get3A_234 = arith.index_cast %sub3A_233 : i32 to index
        %get3A_235 = tpu.vector_load %arg8[%get3A_234] {strides = array<i32>} : memref<4352xf32, #tpu.memory_space<vmem>>, vector<16xf32>,
        %sub3A_236 = arith.subf %get3A_235, %gather3A : vector<16xf32>
        %mul3A_237 = arith.mulf %sub3A_236, %sub3A_236 : vector<16xf32>
        %get3A_238 = arith.index_cast %sub3A_233 : i32 to index
        %get3A_239 = tpu.vector_load %arg9[%get3A_238] {strides = array<i32>} : memref<4352xf32, #tpu.memory_space<vmem>>, vector<16xf32>,
        %sub3A_240 = arith.subf %get3A_239, %gather3A_84 : vector<16xf32>
        %mul3A_241 = arith.mulf %sub3A_240, %sub3A_240 : vector<16xf32>
        %add3A_242 = arith.addf %mul3A_237, %mul3A_241 : vector<16xf32>
        %get3A_243 = arith.index_cast %sub3A_233 : i32 to index
        %get3A_244 = tpu.vector_load %arg10[%get3A_243] {strides = array<i32>} : memref<4352xf32, #tpu.memory_space<vmem>>, vector<16xf32>,
        %sub3A_245 = arith.subf %get3A_244, %gather3A_88 : vector<16xf32>
        %mul3A_246 = arith.mulf %sub3A_245, %sub3A_245 : vector<16xf32>
        %add3A_247 = arith.addf %add3A_242, %mul3A_246 : vector<16xf32>
        %min3A_248 = arith.minimumf %min3A_227, %add3A_247 : vector<16xf32>
        %max3A_249 = arith.maximumf %min3A_227, %add3A_247 : vector<16xf32>
        %min3A_250 = arith.minimumf %min3A_229, %max3A_249 : vector<16xf32>
        %max3A_251 = arith.maximumf %min3A_229, %max3A_249 : vector<16xf32>
        %min3A_252 = arith.minimumf %min3A_231, %max3A_251 : vector<16xf32>
        %sub3A_253 = arith.constant 64 : i32
        %sub3A_254 = arith.subi %while3A_151, %sub3A_253 : i32
        %get3A_255 = arith.index_cast %sub3A_254 : i32 to index
        %get3A_256 = tpu.vector_load %arg8[%get3A_255] {strides = array<i32>} : memref<4352xf32, #tpu.memory_space<vmem>>, vector<16xf32>,
        %sub3A_257 = arith.subf %get3A_256, %gather3A : vector<16xf32>
        %mul3A_258 = arith.mulf %sub3A_257, %sub3A_257 : vector<16xf32>
        %get3A_259 = arith.index_cast %sub3A_254 : i32 to index
        %get3A_260 = tpu.vector_load %arg9[%get3A_259] {strides = array<i32>} : memref<4352xf32, #tpu.memory_space<vmem>>, vector<16xf32>,
        %sub3A_261 = arith.subf %get3A_260, %gather3A_84 : vector<16xf32>
        %mul3A_262 = arith.mulf %sub3A_261, %sub3A_261 : vector<16xf32>
        %add3A_263 = arith.addf %mul3A_258, %mul3A_262 : vector<16xf32>
        %get3A_264 = arith.index_cast %sub3A_254 : i32 to index
        %get3A_265 = tpu.vector_load %arg10[%get3A_264] {strides = array<i32>} : memref<4352xf32, #tpu.memory_space<vmem>>, vector<16xf32>,
        %sub3A_266 = arith.subf %get3A_265, %gather3A_88 : vector<16xf32>
        %mul3A_267 = arith.mulf %sub3A_266, %sub3A_266 : vector<16xf32>
        %add3A_268 = arith.addf %add3A_263, %mul3A_267 : vector<16xf32>
        %min3A_269 = arith.minimumf %min3A_248, %add3A_268 : vector<16xf32>
        %max3A_270 = arith.maximumf %min3A_248, %add3A_268 : vector<16xf32>
        %min3A_271 = arith.minimumf %min3A_250, %max3A_270 : vector<16xf32>
        %max3A_272 = arith.maximumf %min3A_250, %max3A_270 : vector<16xf32>
        %min3A_273 = arith.minimumf %min3A_252, %max3A_272 : vector<16xf32>
        %sub3A_274 = arith.constant 80 : i32
        %sub3A_275 = arith.subi %while3A_151, %sub3A_274 : i32
        %get3A_276 = arith.index_cast %sub3A_275 : i32 to index
        %get3A_277 = tpu.vector_load %arg8[%get3A_276] {strides = array<i32>} : memref<4352xf32, #tpu.memory_space<vmem>>, vector<16xf32>,
        %sub3A_278 = arith.subf %get3A_277, %gather3A : vector<16xf32>
        %mul3A_279 = arith.mulf %sub3A_278, %sub3A_278 : vector<16xf32>
        %get3A_280 = arith.index_cast %sub3A_275 : i32 to index
        %get3A_281 = tpu.vector_load %arg9[%get3A_280] {strides = array<i32>} : memref<4352xf32, #tpu.memory_space<vmem>>, vector<16xf32>,
        %sub3A_282 = arith.subf %get3A_281, %gather3A_84 : vector<16xf32>
        %mul3A_283 = arith.mulf %sub3A_282, %sub3A_282 : vector<16xf32>
        %add3A_284 = arith.addf %mul3A_279, %mul3A_283 : vector<16xf32>
        %get3A_285 = arith.index_cast %sub3A_275 : i32 to index
        %get3A_286 = tpu.vector_load %arg10[%get3A_285] {strides = array<i32>} : memref<4352xf32, #tpu.memory_space<vmem>>, vector<16xf32>,
        %sub3A_287 = arith.subf %get3A_286, %gather3A_88 : vector<16xf32>
        %mul3A_288 = arith.mulf %sub3A_287, %sub3A_287 : vector<16xf32>
        %add3A_289 = arith.addf %add3A_284, %mul3A_288 : vector<16xf32>
        %min3A_290 = arith.minimumf %min3A_269, %add3A_289 : vector<16xf32>
        %max3A_291 = arith.maximumf %min3A_269, %add3A_289 : vector<16xf32>
        %min3A_292 = arith.minimumf %min3A_271, %max3A_291 : vector<16xf32>
        %max3A_293 = arith.maximumf %min3A_271, %max3A_291 : vector<16xf32>
        %min3A_294 = arith.minimumf %min3A_273, %max3A_293 : vector<16xf32>
        %sub3A_295 = arith.constant 96 : i32
        %sub3A_296 = arith.subi %while3A_151, %sub3A_295 : i32
        %get3A_297 = arith.index_cast %sub3A_296 : i32 to index
        %get3A_298 = tpu.vector_load %arg8[%get3A_297] {strides = array<i32>} : memref<4352xf32, #tpu.memory_space<vmem>>, vector<16xf32>,
        %sub3A_299 = arith.subf %get3A_298, %gather3A : vector<16xf32>
        %mul3A_300 = arith.mulf %sub3A_299, %sub3A_299 : vector<16xf32>
        %get3A_301 = arith.index_cast %sub3A_296 : i32 to index
        %get3A_302 = tpu.vector_load %arg9[%get3A_301] {strides = array<i32>} : memref<4352xf32, #tpu.memory_space<vmem>>, vector<16xf32>,
        %sub3A_303 = arith.subf %get3A_302, %gather3A_84 : vector<16xf32>
        %mul3A_304 = arith.mulf %sub3A_303, %sub3A_303 : vector<16xf32>
        %add3A_305 = arith.addf %mul3A_300, %mul3A_304 : vector<16xf32>
        %get3A_306 = arith.index_cast %sub3A_296 : i32 to index
        %get3A_307 = tpu.vector_load %arg10[%get3A_306] {strides = array<i32>} : memref<4352xf32, #tpu.memory_space<vmem>>, vector<16xf32>,
        %sub3A_308 = arith.subf %get3A_307, %gather3A_88 : vector<16xf32>
        %mul3A_309 = arith.mulf %sub3A_308, %sub3A_308 : vector<16xf32>
        %add3A_310 = arith.addf %add3A_305, %mul3A_309 : vector<16xf32>
        %min3A_311 = arith.minimumf %min3A_290, %add3A_310 : vector<16xf32>
        %max3A_312 = arith.maximumf %min3A_290, %add3A_310 : vector<16xf32>
        %min3A_313 = arith.minimumf %min3A_292, %max3A_312 : vector<16xf32>
        %max3A_314 = arith.maximumf %min3A_292, %max3A_312 : vector<16xf32>
        %min3A_315 = arith.minimumf %min3A_294, %max3A_314 : vector<16xf32>
        %sub3A_316 = arith.constant 112 : i32
        %sub3A_317 = arith.subi %while3A_151, %sub3A_316 : i32
        %get3A_318 = arith.index_cast %sub3A_317 : i32 to index
        %get3A_319 = tpu.vector_load %arg8[%get3A_318] {strides = array<i32>} : memref<4352xf32, #tpu.memory_space<vmem>>, vector<16xf32>,
        %sub3A_320 = arith.subf %get3A_319, %gather3A : vector<16xf32>
        %mul3A_321 = arith.mulf %sub3A_320, %sub3A_320 : vector<16xf32>
        %get3A_322 = arith.index_cast %sub3A_317 : i32 to index
        %get3A_323 = tpu.vector_load %arg9[%get3A_322] {strides = array<i32>} : memref<4352xf32, #tpu.memory_space<vmem>>, vector<16xf32>,
        %sub3A_324 = arith.subf %get3A_323, %gather3A_84 : vector<16xf32>
        %mul3A_325 = arith.mulf %sub3A_324, %sub3A_324 : vector<16xf32>
        %add3A_326 = arith.addf %mul3A_321, %mul3A_325 : vector<16xf32>
        %get3A_327 = arith.index_cast %sub3A_317 : i32 to index
        %get3A_328 = tpu.vector_load %arg10[%get3A_327] {strides = array<i32>} : memref<4352xf32, #tpu.memory_space<vmem>>, vector<16xf32>,
        %sub3A_329 = arith.subf %get3A_328, %gather3A_88 : vector<16xf32>
        %mul3A_330 = arith.mulf %sub3A_329, %sub3A_329 : vector<16xf32>
        %add3A_331 = arith.addf %add3A_326, %mul3A_330 : vector<16xf32>
        %min3A_332 = arith.minimumf %min3A_311, %add3A_331 : vector<16xf32>
        %max3A_333 = arith.maximumf %min3A_311, %add3A_331 : vector<16xf32>
        %min3A_334 = arith.minimumf %min3A_313, %max3A_333 : vector<16xf32>
        %max3A_335 = arith.maximumf %min3A_313, %max3A_333 : vector<16xf32>
        %min3A_336 = arith.minimumf %min3A_315, %max3A_335 : vector<16xf32>
        %sub3A_337 = arith.constant 128 : i32
        %sub3A_338 = arith.subi %while3A_151, %sub3A_337 : i32
        %get3A_339 = arith.index_cast %sub3A_338 : i32 to index
        %get3A_340 = tpu.vector_load %arg8[%get3A_339] {strides = array<i32>} : memref<4352xf32, #tpu.memory_space<vmem>>, vector<16xf32>,
        %sub3A_341 = arith.subf %get3A_340, %gather3A : vector<16xf32>
        %mul3A_342 = arith.mulf %sub3A_341, %sub3A_341 : vector<16xf32>
        %get3A_343 = arith.index_cast %sub3A_338 : i32 to index
        %get3A_344 = tpu.vector_load %arg9[%get3A_343] {strides = array<i32>} : memref<4352xf32, #tpu.memory_space<vmem>>, vector<16xf32>,
        %sub3A_345 = arith.subf %get3A_344, %gather3A_84 : vector<16xf32>
        %mul3A_346 = arith.mulf %sub3A_345, %sub3A_345 : vector<16xf32>
        %add3A_347 = arith.addf %mul3A_342, %mul3A_346 : vector<16xf32>
        %get3A_348 = arith.index_cast %sub3A_338 : i32 to index
        %get3A_349 = tpu.vector_load %arg10[%get3A_348] {strides = array<i32>} : memref<4352xf32, #tpu.memory_space<vmem>>, vector<16xf32>,
        %sub3A_350 = arith.subf %get3A_349, %gather3A_88 : vector<16xf32>
        %mul3A_351 = arith.mulf %sub3A_350, %sub3A_350 : vector<16xf32>
        %add3A_352 = arith.addf %add3A_347, %mul3A_351 : vector<16xf32>
        %min3A_353 = arith.minimumf %min3A_332, %add3A_352 : vector<16xf32>
        %max3A_354 = arith.maximumf %min3A_332, %add3A_352 : vector<16xf32>
        %min3A_355 = arith.minimumf %min3A_334, %max3A_354 : vector<16xf32>
        %max3A_356 = arith.maximumf %min3A_334, %max3A_354 : vector<16xf32>
        %min3A_357 = arith.minimumf %min3A_336, %max3A_356 : vector<16xf32>
        %sub3A_358 = arith.constant 128 : i32
        %sub3A_359 = arith.subi %while3A_151, %sub3A_358 : i32
        %jit3A_360 = arith.constant 0 : i32
        %jit3A_361 = arith.constant 1 : i32
        %select_n3A_362 = arith.select %or3A, %jit3A_360, %jit3A_361 : i32
        scf.yield %sub3A_359, %select_n3A_362, %min3A_353, %min3A_355, %min3A_357 : i32, i32, vector<16xf32>, vector<16xf32>, vector<16xf32>
      }
      tpu.vector_store_idx %arg8[%gather3A_90], %gather3A masked %eq3A_10 : memref<4352xf32, #tpu.memory_space<vmem>>[vector<16xi32>], vector<16xf32>, vector<16xi1>
      %broadcast_in_dim3A_104 = vector.broadcast %scan3A_78 : i32 to vector<16xi32>
      %reduce_min3A_105 = arith.constant true
      %reduce_min3A_106 = vector.broadcast %reduce_min3A_105 : i1 to vector<16xi1>
      %reduce_min3A_107 = tpu.scan <min>, %while3A_103#2 masked %reduce_min3A_106 : vector<16xf32>, vector<16xi1> -> vector<16xf32>
      %reduce_min3A_108 = vector.extract %reduce_min3A_107[15] : f32 from vector<16xf32>
      %add3A_109 = arith.constant 0 : i32
      %add3A_110 = vector.broadcast %add3A_109 : i32 to vector<16xi32>
      %add3A_111 = arith.addi %broadcast_in_dim3A_104, %add3A_110 : vector<16xi32>
      %broadcast_in_dim3A_112 = vector.broadcast %reduce_min3A_108 : f32 to vector<16xf32>
      tpu.vector_store_idx %arg16[%add3A_111], %broadcast_in_dim3A_112 masked %eq3A_10 : memref<384xf32, #tpu.memory_space<vmem>>[vector<16xi32>], vector<16xf32>, vector<16xi1>
      %eq3A_113 = vector.broadcast %reduce_min3A_108 : f32 to vector<16xf32>
      %eq3A_114 = arith.cmpf oeq, %while3A_103#2, %eq3A_113 : vector<16xf32>
      %all_reduce_ffs3A = tpu.all_reduce %eq3A_114 {dim = 0 : i64, kind = #tpu.reduction_kind<find_first_set>} : vector<16xi1> -> vector<16xi32>
      %eq3A_115 = arith.cmpi eq, %iota3A, %all_reduce_ffs3A : vector<16xi32>
      %select_n3A = arith.select %eq3A_115, %while3A_103#3, %while3A_103#2 : vector<16xi1>, vector<16xf32>
      %select_n3A_116 = arith.select %eq3A_115, %while3A_103#4, %while3A_103#3 : vector<16xi1>, vector<16xf32>
      %broadcast_in_dim3A_117 = vector.broadcast %scan3A_58 : f32 to vector<16xf32>
      %select_n3A_118 = arith.select %eq3A_115, %broadcast_in_dim3A_117, %while3A_103#4 : vector<16xi1>, vector<16xf32>
      %reduce_min3A_119 = arith.constant true
      %reduce_min3A_120 = vector.broadcast %reduce_min3A_119 : i1 to vector<16xi1>
      %reduce_min3A_121 = tpu.scan <min>, %select_n3A masked %reduce_min3A_120 : vector<16xf32>, vector<16xi1> -> vector<16xf32>
      %reduce_min3A_122 = vector.extract %reduce_min3A_121[15] : f32 from vector<16xf32>
      %add3A_123 = arith.constant 128 : i32
      %add3A_124 = vector.broadcast %add3A_123 : i32 to vector<16xi32>
      %add3A_125 = arith.addi %broadcast_in_dim3A_104, %add3A_124 : vector<16xi32>
      %broadcast_in_dim3A_126 = vector.broadcast %reduce_min3A_122 : f32 to vector<16xf32>
      tpu.vector_store_idx %arg16[%add3A_125], %broadcast_in_dim3A_126 masked %eq3A_10 : memref<384xf32, #tpu.memory_space<vmem>>[vector<16xi32>], vector<16xf32>, vector<16xi1>
      %eq3A_127 = vector.broadcast %reduce_min3A_122 : f32 to vector<16xf32>
      %eq3A_128 = arith.cmpf oeq, %select_n3A, %eq3A_127 : vector<16xf32>
      %all_reduce_ffs3A_129 = tpu.all_reduce %eq3A_128 {dim = 0 : i64, kind = #tpu.reduction_kind<find_first_set>} : vector<16xi1> -> vector<16xi32>
      %eq3A_130 = arith.cmpi eq, %iota3A, %all_reduce_ffs3A_129 : vector<16xi32>
      %select_n3A_131 = arith.select %eq3A_130, %select_n3A_116, %select_n3A : vector<16xi1>, vector<16xf32>
      %select_n3A_132 = arith.select %eq3A_130, %select_n3A_118, %select_n3A_116 : vector<16xi1>, vector<16xf32>
      %broadcast_in_dim3A_133 = vector.broadcast %scan3A_58 : f32 to vector<16xf32>
      %select_n3A_134 = arith.select %eq3A_130, %broadcast_in_dim3A_133, %select_n3A_118 : vector<16xi1>, vector<16xf32>
      %reduce_min3A_135 = arith.constant true
      %reduce_min3A_136 = vector.broadcast %reduce_min3A_135 : i1 to vector<16xi1>
      %reduce_min3A_137 = tpu.scan <min>, %select_n3A_131 masked %reduce_min3A_136 : vector<16xf32>, vector<16xi1> -> vector<16xf32>
      %reduce_min3A_138 = vector.extract %reduce_min3A_137[15] : f32 from vector<16xf32>
      %add3A_139 = arith.constant 256 : i32
      %add3A_140 = vector.broadcast %add3A_139 : i32 to vector<16xi32>
      %add3A_141 = arith.addi %broadcast_in_dim3A_104, %add3A_140 : vector<16xi32>
      %broadcast_in_dim3A_142 = vector.broadcast %reduce_min3A_138 : f32 to vector<16xf32>
      tpu.vector_store_idx %arg16[%add3A_141], %broadcast_in_dim3A_142 masked %eq3A_10 : memref<384xf32, #tpu.memory_space<vmem>>[vector<16xi32>], vector<16xf32>, vector<16xi1>
      %eq3A_143 = vector.broadcast %reduce_min3A_138 : f32 to vector<16xf32>
      %eq3A_144 = arith.cmpf oeq, %select_n3A_131, %eq3A_143 : vector<16xf32>
      %all_reduce_ffs3A_145 = tpu.all_reduce %eq3A_144 {dim = 0 : i64, kind = #tpu.reduction_kind<find_first_set>} : vector<16xi1> -> vector<16xi32>
      %eq3A_146 = arith.cmpi eq, %iota3A, %all_reduce_ffs3A_145 : vector<16xi32>
      %select_n3A_147 = arith.select %eq3A_146, %select_n3A_132, %select_n3A_131 : vector<16xi1>, vector<16xf32>
      %select_n3A_148 = arith.select %eq3A_146, %select_n3A_134, %select_n3A_132 : vector<16xi1>, vector<16xf32>
      %broadcast_in_dim3A_149 = vector.broadcast %scan3A_58 : f32 to vector<16xf32>
      %select_n3A_150 = arith.select %eq3A_146, %broadcast_in_dim3A_149, %select_n3A_134 : vector<16xi1>, vector<16xf32>
    }
    %scan3A_63 = arith.constant 128 : i32
    %scan3A_64 = arith.constant 0 : i32
    %scan3A_65 = arith.constant 0.000000e+00 : f32
    %scan3A_66 = arith.constant 0.333333343 : f32
    %scan3A_67 = arith.constant 0 : i32
    %scan3A_68 = arith.constant 8 : i32
    %scan3A_69 = arith.addi %scan3A_67, %scan3A_68 : i32
    %scan3A_70 = arith.constant 1 : i32
    scf.for %scan3A_78 = %scan3A_67 to %scan3A_69 step %scan3A_70  : i32 {
      %mul3A_79 = arith.constant 16 : i32
      %mul3A_80 = arith.muli %scan3A_78, %mul3A_79 : i32
      %get3A = arith.index_cast %mul3A_80 : i32 to index
      %get3A_81 = tpu.vector_load %arg16[%get3A] {strides = array<i32>} : memref<384xf32, #tpu.memory_space<vmem>>, vector<16xf32>,
      %max3A = vector.broadcast %scan3A_65 : f32 to vector<16xf32>
      %max3A_82 = arith.maximumf %get3A_81, %max3A : vector<16xf32>
      %bitcast3A = vector.bitcast %max3A_82 : vector<16xf32> to vector<16xi32>
      %shift_right_arithmetic3A = arith.constant 1 : i32
      %shift_right_arithmetic3A_83 = vector.broadcast %shift_right_arithmetic3A : i32 to vector<16xi32>
      %shift_right_arithmetic3A_84 = arith.shrsi %bitcast3A, %shift_right_arithmetic3A_83 : vector<16xi32>
      %sub3A = arith.constant 1597463007 : i32
      %sub3A_85 = vector.broadcast %sub3A : i32 to vector<16xi32>
      %sub3A_86 = arith.subi %sub3A_85, %shift_right_arithmetic3A_84 : vector<16xi32>
      %bitcast3A_87 = vector.bitcast %sub3A_86 : vector<16xi32> to vector<16xf32>
      %mul3A_88 = arith.constant 5.000000e-01 : f32
      %mul3A_89 = vector.broadcast %mul3A_88 : f32 to vector<16xf32>
      %mul3A_90 = arith.mulf %max3A_82, %mul3A_89 : vector<16xf32>
      %mul3A_91 = arith.mulf %mul3A_90, %bitcast3A_87 : vector<16xf32>
      %mul3A_92 = arith.mulf %mul3A_91, %bitcast3A_87 : vector<16xf32>
      %sub3A_93 = arith.constant 1.500000e+00 : f32
      %sub3A_94 = vector.broadcast %sub3A_93 : f32 to vector<16xf32>
      %sub3A_95 = arith.subf %sub3A_94, %mul3A_92 : vector<16xf32>
      %mul3A_96 = arith.mulf %bitcast3A_87, %sub3A_95 : vector<16xf32>
      %mul3A_97 = arith.mulf %mul3A_90, %mul3A_96 : vector<16xf32>
      %mul3A_98 = arith.mulf %mul3A_97, %mul3A_96 : vector<16xf32>
      %sub3A_99 = arith.constant 1.500000e+00 : f32
      %sub3A_100 = vector.broadcast %sub3A_99 : f32 to vector<16xf32>
      %sub3A_101 = arith.subf %sub3A_100, %mul3A_98 : vector<16xf32>
      %mul3A_102 = arith.mulf %mul3A_96, %sub3A_101 : vector<16xf32>
      %mul3A_103 = arith.mulf %mul3A_90, %mul3A_102 : vector<16xf32>
      %mul3A_104 = arith.mulf %mul3A_103, %mul3A_102 : vector<16xf32>
      %sub3A_105 = arith.constant 1.500000e+00 : f32
      %sub3A_106 = vector.broadcast %sub3A_105 : f32 to vector<16xf32>
      %sub3A_107 = arith.subf %sub3A_106, %mul3A_104 : vector<16xf32>
      %mul3A_108 = arith.mulf %mul3A_102, %sub3A_107 : vector<16xf32>
      %mul3A_109 = arith.mulf %max3A_82, %mul3A_108 : vector<16xf32>
      %add3A_110 = arith.constant 128 : i32
      %add3A_111 = arith.addi %add3A_110, %mul3A_80 : i32
      %get3A_112 = arith.index_cast %add3A_111 : i32 to index
      %get3A_113 = tpu.vector_load %arg16[%get3A_112] {strides = array<i32>} : memref<384xf32, #tpu.memory_space<vmem>>, vector<16xf32>,
      %max3A_114 = vector.broadcast %scan3A_65 : f32 to vector<16xf32>
      %max3A_115 = arith.maximumf %get3A_113, %max3A_114 : vector<16xf32>
      %bitcast3A_116 = vector.bitcast %max3A_115 : vector<16xf32> to vector<16xi32>
      %shift_right_arithmetic3A_117 = arith.constant 1 : i32
      %shift_right_arithmetic3A_118 = vector.broadcast %shift_right_arithmetic3A_117 : i32 to vector<16xi32>
      %shift_right_arithmetic3A_119 = arith.shrsi %bitcast3A_116, %shift_right_arithmetic3A_118 : vector<16xi32>
      %sub3A_120 = arith.constant 1597463007 : i32
      %sub3A_121 = vector.broadcast %sub3A_120 : i32 to vector<16xi32>
      %sub3A_122 = arith.subi %sub3A_121, %shift_right_arithmetic3A_119 : vector<16xi32>
      %bitcast3A_123 = vector.bitcast %sub3A_122 : vector<16xi32> to vector<16xf32>
      %mul3A_124 = arith.constant 5.000000e-01 : f32
      %mul3A_125 = vector.broadcast %mul3A_124 : f32 to vector<16xf32>
      %mul3A_126 = arith.mulf %max3A_115, %mul3A_125 : vector<16xf32>
      %mul3A_127 = arith.mulf %mul3A_126, %bitcast3A_123 : vector<16xf32>
      %mul3A_128 = arith.mulf %mul3A_127, %bitcast3A_123 : vector<16xf32>
      %sub3A_129 = arith.constant 1.500000e+00 : f32
      %sub3A_130 = vector.broadcast %sub3A_129 : f32 to vector<16xf32>
      %sub3A_131 = arith.subf %sub3A_130, %mul3A_128 : vector<16xf32>
      %mul3A_132 = arith.mulf %bitcast3A_123, %sub3A_131 : vector<16xf32>
      %mul3A_133 = arith.mulf %mul3A_126, %mul3A_132 : vector<16xf32>
      %mul3A_134 = arith.mulf %mul3A_133, %mul3A_132 : vector<16xf32>
      %sub3A_135 = arith.constant 1.500000e+00 : f32
      %sub3A_136 = vector.broadcast %sub3A_135 : f32 to vector<16xf32>
      %sub3A_137 = arith.subf %sub3A_136, %mul3A_134 : vector<16xf32>
      %mul3A_138 = arith.mulf %mul3A_132, %sub3A_137 : vector<16xf32>
      %mul3A_139 = arith.mulf %mul3A_126, %mul3A_138 : vector<16xf32>
      %mul3A_140 = arith.mulf %mul3A_139, %mul3A_138 : vector<16xf32>
      %sub3A_141 = arith.constant 1.500000e+00 : f32
      %sub3A_142 = vector.broadcast %sub3A_141 : f32 to vector<16xf32>
      %sub3A_143 = arith.subf %sub3A_142, %mul3A_140 : vector<16xf32>
      %mul3A_144 = arith.mulf %mul3A_138, %sub3A_143 : vector<16xf32>
      %mul3A_145 = arith.mulf %max3A_115, %mul3A_144 : vector<16xf32>
      %add3A_146 = arith.addf %mul3A_109, %mul3A_145 : vector<16xf32>
      %add3A_147 = arith.constant 256 : i32
      %add3A_148 = arith.addi %add3A_147, %mul3A_80 : i32
      %get3A_149 = arith.index_cast %add3A_148 : i32 to index
      %get3A_150 = tpu.vector_load %arg16[%get3A_149] {strides = array<i32>} : memref<384xf32, #tpu.memory_space<vmem>>, vector<16xf32>,
      %max3A_151 = vector.broadcast %scan3A_65 : f32 to vector<16xf32>
      %max3A_152 = arith.maximumf %get3A_150, %max3A_151 : vector<16xf32>
      %bitcast3A_153 = vector.bitcast %max3A_152 : vector<16xf32> to vector<16xi32>
      %shift_right_arithmetic3A_154 = arith.constant 1 : i32
      %shift_right_arithmetic3A_155 = vector.broadcast %shift_right_arithmetic3A_154 : i32 to vector<16xi32>
      %shift_right_arithmetic3A_156 = arith.shrsi %bitcast3A_153, %shift_right_arithmetic3A_155 : vector<16xi32>
      %sub3A_157 = arith.constant 1597463007 : i32
      %sub3A_158 = vector.broadcast %sub3A_157 : i32 to vector<16xi32>
      %sub3A_159 = arith.subi %sub3A_158, %shift_right_arithmetic3A_156 : vector<16xi32>
      %bitcast3A_160 = vector.bitcast %sub3A_159 : vector<16xi32> to vector<16xf32>
      %mul3A_161 = arith.constant 5.000000e-01 : f32
      %mul3A_162 = vector.broadcast %mul3A_161 : f32 to vector<16xf32>
      %mul3A_163 = arith.mulf %max3A_152, %mul3A_162 : vector<16xf32>
      %mul3A_164 = arith.mulf %mul3A_163, %bitcast3A_160 : vector<16xf32>
      %mul3A_165 = arith.mulf %mul3A_164, %bitcast3A_160 : vector<16xf32>
      %sub3A_166 = arith.constant 1.500000e+00 : f32
      %sub3A_167 = vector.broadcast %sub3A_166 : f32 to vector<16xf32>
      %sub3A_168 = arith.subf %sub3A_167, %mul3A_165 : vector<16xf32>
      %mul3A_169 = arith.mulf %bitcast3A_160, %sub3A_168 : vector<16xf32>
      %mul3A_170 = arith.mulf %mul3A_163, %mul3A_169 : vector<16xf32>
      %mul3A_171 = arith.mulf %mul3A_170, %mul3A_169 : vector<16xf32>
      %sub3A_172 = arith.constant 1.500000e+00 : f32
      %sub3A_173 = vector.broadcast %sub3A_172 : f32 to vector<16xf32>
      %sub3A_174 = arith.subf %sub3A_173, %mul3A_171 : vector<16xf32>
      %mul3A_175 = arith.mulf %mul3A_169, %sub3A_174 : vector<16xf32>
      %mul3A_176 = arith.mulf %mul3A_163, %mul3A_175 : vector<16xf32>
      %mul3A_177 = arith.mulf %mul3A_176, %mul3A_175 : vector<16xf32>
      %sub3A_178 = arith.constant 1.500000e+00 : f32
      %sub3A_179 = vector.broadcast %sub3A_178 : f32 to vector<16xf32>
      %sub3A_180 = arith.subf %sub3A_179, %mul3A_177 : vector<16xf32>
      %mul3A_181 = arith.mulf %mul3A_175, %sub3A_180 : vector<16xf32>
      %mul3A_182 = arith.mulf %max3A_152, %mul3A_181 : vector<16xf32>
      %add3A_183 = arith.addf %add3A_146, %mul3A_182 : vector<16xf32>
      %mul3A_184 = vector.broadcast %scan3A_66 : f32 to vector<16xf32>
      %mul3A_185 = arith.mulf %add3A_183, %mul3A_184 : vector<16xf32>
      %max3A_186 = arith.constant 9.99999974E-6 : f32
      %max3A_187 = vector.broadcast %max3A_186 : f32 to vector<16xf32>
      %max3A_188 = arith.maximumf %mul3A_185, %max3A_187 : vector<16xf32>
      %add3A_189 = arith.constant 0 : i32
      %add3A_190 = arith.addi %add3A_189, %mul3A_80 : i32
      %get3A_191 = arith.index_cast %add3A_190 : i32 to index
      %get3A_192 = tpu.vector_load %arg15[%get3A_191] {strides = array<i32>} : memref<384xf32, #tpu.memory_space<vmem>>, vector<16xf32>,
      %mul3A_193 = arith.mulf %get3A_192, %max3A_188 : vector<16xf32>
      %add3A_194 = arith.constant 0 : i32
      %add3A_195 = arith.addi %add3A_194, %mul3A_80 : i32
      %swap3A = arith.index_cast %add3A_195 : i32 to index
      %swap3A_196 = tpu.vector_load %arg17[%swap3A] {strides = array<i32>} : memref<384xf32, #tpu.memory_space<vmem>>, vector<16xf32>,
      tpu.vector_store %arg17[%swap3A], %mul3A_193 {strides = array<i32>} : memref<384xf32, #tpu.memory_space<vmem>>, vector<16xf32>,
      %add3A_197 = arith.constant 128 : i32
      %add3A_198 = arith.addi %add3A_197, %mul3A_80 : i32
      %get3A_199 = arith.index_cast %add3A_198 : i32 to index
      %get3A_200 = tpu.vector_load %arg15[%get3A_199] {strides = array<i32>} : memref<384xf32, #tpu.memory_space<vmem>>, vector<16xf32>,
      %mul3A_201 = arith.mulf %get3A_200, %max3A_188 : vector<16xf32>
      %add3A_202 = arith.constant 128 : i32
      %add3A_203 = arith.addi %add3A_202, %mul3A_80 : i32
      %swap3A_204 = arith.index_cast %add3A_203 : i32 to index
      %swap3A_205 = tpu.vector_load %arg17[%swap3A_204] {strides = array<i32>} : memref<384xf32, #tpu.memory_space<vmem>>, vector<16xf32>,
      tpu.vector_store %arg17[%swap3A_204], %mul3A_201 {strides = array<i32>} : memref<384xf32, #tpu.memory_space<vmem>>, vector<16xf32>,
      %add3A_206 = arith.constant 256 : i32
      %add3A_207 = arith.addi %add3A_206, %mul3A_80 : i32
      %get3A_208 = arith.index_cast %add3A_207 : i32 to index
      %get3A_209 = tpu.vector_load %arg15[%get3A_208] {strides = array<i32>} : memref<384xf32, #tpu.memory_space<vmem>>, vector<16xf32>,
      %mul3A_210 = arith.mulf %get3A_209, %max3A_188 : vector<16xf32>
      %add3A_211 = arith.constant 256 : i32
      %add3A_212 = arith.addi %add3A_211, %mul3A_80 : i32
      %swap3A_213 = arith.index_cast %add3A_212 : i32 to index
      %swap3A_214 = tpu.vector_load %arg17[%swap3A_213] {strides = array<i32>} : memref<384xf32, #tpu.memory_space<vmem>>, vector<16xf32>,
      tpu.vector_store %arg17[%swap3A_213], %mul3A_210 {strides = array<i32>} : memref<384xf32, #tpu.memory_space<vmem>>, vector<16xf32>,
    }
    %scan3A_71 = arith.constant 8 : i32
    %add3A_72 = arith.constant 0 : i32
    %add3A_73 = arith.addi %add3A_72, %mul3A_2 : i32
    "tpu.region"() ({
      %run_scoped3A = tpu.sem_alloc : memref<!tpu.dma_semaphore, #tpu.memory_space<semaphore_mem>>
      %dma_start3A = arith.constant 0 : i32
      %dma_start3A_78 = tpu.memref_slice %arg17[%dma_start3A] : memref<384xf32, #tpu.memory_space<vmem>> -> memref<128xf32, #tpu.memory_space<vmem>>
      %dma_start3A_79 = tpu.memref_slice %arg4[%add3A_73] : memref<12288xf32, #tpu.memory_space<hbm>> -> memref<128xf32, #tpu.memory_space<hbm>>
      %dma_start3A_80 = tpu.memref_slice %arg4[%add3A_73] : memref<12288xf32, #tpu.memory_space<hbm>> -> memref<128xf32, #tpu.memory_space<hbm>>
      %dma_start3A_81 = arith.constant 0 : i32
      %dma_start3A_82 = tpu.memref_slice %arg17[%dma_start3A_81] : memref<384xf32, #tpu.memory_space<vmem>> -> memref<128xf32, #tpu.memory_space<vmem>>
      tpu.enqueue_dma source(%dma_start3A_82 : memref<128xf32, #tpu.memory_space<vmem>>) target(%dma_start3A_80 : memref<128xf32, #tpu.memory_space<hbm>>) target_semaphore(%run_scoped3A : memref<!tpu.dma_semaphore, #tpu.memory_space<semaphore_mem>>)
      %dma_wait3A = arith.constant 0 : i32
      %dma_wait3A_83 = tpu.memref_slice %arg17[%dma_wait3A] : memref<384xf32, #tpu.memory_space<vmem>> -> memref<128xf32, #tpu.memory_space<vmem>>
      %dma_wait3A_84 = tpu.memref_slice %arg4[%add3A_73] : memref<12288xf32, #tpu.memory_space<hbm>> -> memref<128xf32, #tpu.memory_space<hbm>>
      %dma_wait3A_85 = tpu.memref_slice %arg4[%add3A_73] : memref<12288xf32, #tpu.memory_space<hbm>> -> memref<128xf32, #tpu.memory_space<hbm>>
      %dma_wait3A_86 = arith.constant 0 : i32
      %dma_wait3A_87 = tpu.memref_slice %arg17[%dma_wait3A_86] : memref<384xf32, #tpu.memory_space<vmem>> -> memref<128xf32, #tpu.memory_space<vmem>>
      tpu.wait_dma2 semaphore(%run_scoped3A : memref<!tpu.dma_semaphore, #tpu.memory_space<semaphore_mem>>) src(%dma_wait3A_87 : memref<128xf32, #tpu.memory_space<vmem>>) dst(%dma_wait3A_85 : memref<128xf32, #tpu.memory_space<hbm>>)
      tpu.yield
    }) : () -> ()
    %add3A_74 = arith.constant 4096 : i32
    %add3A_75 = arith.addi %add3A_74, %mul3A_2 : i32
    "tpu.region"() ({
      %run_scoped3A = tpu.sem_alloc : memref<!tpu.dma_semaphore, #tpu.memory_space<semaphore_mem>>
      %dma_start3A = arith.constant 128 : i32
      %dma_start3A_78 = tpu.memref_slice %arg17[%dma_start3A] : memref<384xf32, #tpu.memory_space<vmem>> -> memref<128xf32, #tpu.memory_space<vmem>>
      %dma_start3A_79 = tpu.memref_slice %arg4[%add3A_75] : memref<12288xf32, #tpu.memory_space<hbm>> -> memref<128xf32, #tpu.memory_space<hbm>>
      %dma_start3A_80 = tpu.memref_slice %arg4[%add3A_75] : memref<12288xf32, #tpu.memory_space<hbm>> -> memref<128xf32, #tpu.memory_space<hbm>>
      %dma_start3A_81 = arith.constant 128 : i32
      %dma_start3A_82 = tpu.memref_slice %arg17[%dma_start3A_81] : memref<384xf32, #tpu.memory_space<vmem>> -> memref<128xf32, #tpu.memory_space<vmem>>
      tpu.enqueue_dma source(%dma_start3A_82 : memref<128xf32, #tpu.memory_space<vmem>>) target(%dma_start3A_80 : memref<128xf32, #tpu.memory_space<hbm>>) target_semaphore(%run_scoped3A : memref<!tpu.dma_semaphore, #tpu.memory_space<semaphore_mem>>)
      %dma_wait3A = arith.constant 128 : i32
      %dma_wait3A_83 = tpu.memref_slice %arg17[%dma_wait3A] : memref<384xf32, #tpu.memory_space<vmem>> -> memref<128xf32, #tpu.memory_space<vmem>>
      %dma_wait3A_84 = tpu.memref_slice %arg4[%add3A_75] : memref<12288xf32, #tpu.memory_space<hbm>> -> memref<128xf32, #tpu.memory_space<hbm>>
      %dma_wait3A_85 = tpu.memref_slice %arg4[%add3A_75] : memref<12288xf32, #tpu.memory_space<hbm>> -> memref<128xf32, #tpu.memory_space<hbm>>
      %dma_wait3A_86 = arith.constant 128 : i32
      %dma_wait3A_87 = tpu.memref_slice %arg17[%dma_wait3A_86] : memref<384xf32, #tpu.memory_space<vmem>> -> memref<128xf32, #tpu.memory_space<vmem>>
      tpu.wait_dma2 semaphore(%run_scoped3A : memref<!tpu.dma_semaphore, #tpu.memory_space<semaphore_mem>>) src(%dma_wait3A_87 : memref<128xf32, #tpu.memory_space<vmem>>) dst(%dma_wait3A_85 : memref<128xf32, #tpu.memory_space<hbm>>)
      tpu.yield
    }) : () -> ()
    %add3A_76 = arith.constant 8192 : i32
    %add3A_77 = arith.addi %add3A_76, %mul3A_2 : i32
    "tpu.region"() ({
      %run_scoped3A = tpu.sem_alloc : memref<!tpu.dma_semaphore, #tpu.memory_space<semaphore_mem>>
      %dma_start3A = arith.constant 256 : i32
      %dma_start3A_78 = tpu.memref_slice %arg17[%dma_start3A] : memref<384xf32, #tpu.memory_space<vmem>> -> memref<128xf32, #tpu.memory_space<vmem>>
      %dma_start3A_79 = tpu.memref_slice %arg4[%add3A_77] : memref<12288xf32, #tpu.memory_space<hbm>> -> memref<128xf32, #tpu.memory_space<hbm>>
      %dma_start3A_80 = tpu.memref_slice %arg4[%add3A_77] : memref<12288xf32, #tpu.memory_space<hbm>> -> memref<128xf32, #tpu.memory_space<hbm>>
      %dma_start3A_81 = arith.constant 256 : i32
      %dma_start3A_82 = tpu.memref_slice %arg17[%dma_start3A_81] : memref<384xf32, #tpu.memory_space<vmem>> -> memref<128xf32, #tpu.memory_space<vmem>>
      tpu.enqueue_dma source(%dma_start3A_82 : memref<128xf32, #tpu.memory_space<vmem>>) target(%dma_start3A_80 : memref<128xf32, #tpu.memory_space<hbm>>) target_semaphore(%run_scoped3A : memref<!tpu.dma_semaphore, #tpu.memory_space<semaphore_mem>>)
      %dma_wait3A = arith.constant 256 : i32
      %dma_wait3A_83 = tpu.memref_slice %arg17[%dma_wait3A] : memref<384xf32, #tpu.memory_space<vmem>> -> memref<128xf32, #tpu.memory_space<vmem>>
      %dma_wait3A_84 = tpu.memref_slice %arg4[%add3A_77] : memref<12288xf32, #tpu.memory_space<hbm>> -> memref<128xf32, #tpu.memory_space<hbm>>
      %dma_wait3A_85 = tpu.memref_slice %arg4[%add3A_77] : memref<12288xf32, #tpu.memory_space<hbm>> -> memref<128xf32, #tpu.memory_space<hbm>>
      %dma_wait3A_86 = arith.constant 256 : i32
      %dma_wait3A_87 = tpu.memref_slice %arg17[%dma_wait3A_86] : memref<384xf32, #tpu.memory_space<vmem>> -> memref<128xf32, #tpu.memory_space<vmem>>
      tpu.wait_dma2 semaphore(%run_scoped3A : memref<!tpu.dma_semaphore, #tpu.memory_space<semaphore_mem>>) src(%dma_wait3A_87 : memref<128xf32, #tpu.memory_space<vmem>>) dst(%dma_wait3A_85 : memref<128xf32, #tpu.memory_space<hbm>>)
      tpu.yield
    }) : () -> ()
    return
  }
}

</mosaic_0001>

<sc_bundles>
// kernel: kernel.3.cloned.1.call-start
scs
__scs_entry_jumppad:
0x0: {  	(pc) =	sbr.rel $0x88, $3  }
0x1: {  	(tag) =	ssettag $0x0;
	lr =	simm.s32 $0x1  }
0x2: {  	[smem:$0x3F9F] =	sst lr;
	_ =	strace $0xD0000000  }
0x3: {  	_ = 	snop  }
0x4: {  	_ = 	snop  }
0x5: {  	_ = 	snop  }
0x6: {  	_ = 	snop  }
0x7: {  	_ = 	snop  }
__scs_overlays_trampoline_lowered:
0x8: {  	[smem:$0x3FAE] =	sst s0  }
0x9: {  	[smem:$0x3FAF] =	sst s1  }
0xa: {  	[smem:$0x3FB0] =	sst s2  }
0xb: {  	[smem:$0x3FB1] =	sst s3  }
0xc: {  	[smem:$0x3FB2] =	sst s4  }
0xd: {  	[smem:$0x3FB3] =	sst s5  }
0xe: {  	[smem:$0x3FB4] =	sst s6  }
0xf: {  	[smem:$0x3FB5] =	sst s7  }
0x10: {  	[smem:$0x3FB6] =	sst s8  }
0x11: {  	[smem:$0x3FB7] =	sst s9;
	s0 =	simm.s32 @!p0 $0x0  }
0x12: {  	s1 =	sld [smem:$0x3F9D];
	s0 =	simm.s32 @p0 $0x1  }
0x13: {  	[smem:$0x3FB8] =	sst s0;
	s0 =	simm.s32 @!p1 $0x0  }
0x14: {  	s2 =	sld [smem:$0x3F9C];
	s0 =	simm.s32 @p1 $0x1  }
0x15: {  	[smem:$0x3FB9] =	sst s0;
	s0 =	simm.s32 @!p2 $0x0  }
0x16: {  	s3 =	sld [smem:$0x3FDB];
	s0 =	simm.s32 @p2 $0x1  }
0x17: {  	s4 =	simm.s32 $0x1BF5;
	[smem:$0x3FBB] =	sst s0  }
0x18: {  	s0 =	sld [smem:$0x3F9E];
	_ =	swait.ge [sflag:s4], $0x0  }
0x19: {  	s7 =	sld [smem:$0x3F9F]  }
0x1a: {  	s8 =	sadd.s32 $0xFFFFE003, lr  }
0x1b: {  	s9 =	sadd.s32 $0xFFFFFEF7, lr;
	s5 =	simm.s32 $0xFFFFFFFF;
	p2 =	slt.u32 s8, $0xFFFFF086  }
0x1c: {  	p1 =	slt.u32 s9, $0xF7A;
	s5 =	simm.s32 @!p2 $0x0  }
0x1d: {  	s5 =	simm.s32 @p1 $0x1;
	p0 =	seq.s32 s7, s2  }
0x1e: {  	s7 =	smul.u32 @!p0 $0xF7A, s2;
	p2 =	seq.s32 @!p0 s5, $0x0  }
0x1f: {  	s9 =	smul.u32 $0xF7A, s1;
	s8 =	simm.s32 @!p0 $0x1BF5;
	p2 =	por !p2, p0  }
0x20: {  	[sflag:s8] =	ssyncset.s32 @!p0 $0xFFFFF086;
	s6 =	sadd.s32 @!p0 s3, s7;
	s7 =	simm.s32 @!p0 $0x108  }
0x21: {  	s3 =	sadd.s32 s3, s9;
	s6 =	sadd.s32 @!p0 $0x88, s6;
	s7 =	simm.s32 @p2 $0x1082  }
0x22: {  	[simem:s7], [sflag:s8] =	dma.local @!p0 [hbm:s6], $0xF7A  }
0x23: {  	s9 =	sor.u32 $0xD0000000, s2;
	s6 =	simm.s32 $0x108;
	_ =	swait.ge @!p0 [sflag:s8], $0x0  }
0x24: {  	s3 =	sadd.s32 $0x88, s3;
	s6 =	simm.s32 @!p1 $0x1082;
	[sflag:s4] =	ssyncset.s32 $0xFFFFF086  }
0x25: {  	[simem:s6], [sflag:s4] =	dma.local [hbm:s3], $0xF7A  }
0x26: {  	[smem:$0x3F9F] =	sst s1;
	(tag) =	ssettag s2;
	_ =	strace s9  }
0x27: {  	s1 =	sld [smem:$0x3FAF]  }
0x28: {  	s2 =	sld [smem:$0x3FB0]  }
0x29: {  	s4 =	sld [smem:$0x3FB2]  }
0x2a: {  	p0 =	seq.s32 s5, $0x0;
	s5 =	sld [smem:$0x3FB3]  }
0x2b: {  	s6 =	sld [smem:$0x3FB4]  }
0x2c: {  	s7 =	sld [smem:$0x3FB5]  }
0x2d: {  	s3 =	simm.s32 $0x108;
	s8 =	sld [smem:$0x3FB6]  }
0x2e: {  	s3 =	simm.s32 @!p0 $0x1082;
	s9 =	sld [smem:$0x3FB7]  }
0x2f: {  	lr =	sadd.s32 s0, s3;
	s0 =	sld [smem:$0x3FAE]  }
0x30: {  	s3 =	sld [smem:$0x3FB1]  }
0x31: {  	[smem:$0x3FBA] =	sst s10  }
0x32: {  	s10 =	sld [smem:$0x3FB8];
	_ =	sdelay $0x3  }
0x33: {  	p0 =	seq.s32 s10, $0x1;
	s10 =	sld [smem:$0x3FBA];
	_ =	sdelay $0x3  }
0x34: {  	[smem:$0x3FBA] =	sst s10  }
0x35: {  	s10 =	sld [smem:$0x3FB9];
	_ =	sdelay $0x3  }
0x36: {  	p1 =	seq.s32 s10, $0x1;
	s10 =	sld [smem:$0x3FBA];
	_ =	sdelay $0x3  }
0x37: {  	[smem:$0x3FBA] =	sst s10  }
0x38: {  	s10 =	sld [smem:$0x3FBB]  }
0x39: {  	_ = 	snop;
	(pc) =	sbr.ind lr, $3  }
0x3a: {  	_ = 	snop  }
0x3b: {  	_ = 	snop  }
0x3c: {  	p2 =	seq.s32 s10, $0x1;
	s10 =	sld [smem:$0x3FBA]  }
0x3d: {  	_ =	shalt  }
0x3e: {  	_ =	shalt  }
0x3f: {  	_ =	shalt  }
0x40: {  	_ =	shalt  }
0x41: {  	_ =	shalt  }
0x42: {  	_ =	shalt  }
0x43: {  	_ =	shalt  }
0x44: {  	_ =	shalt  }
0x45: {  	_ =	shalt  }
0x46: {  	_ =	shalt  }
0x47: {  	_ =	shalt  }
0x48: {  	_ =	shalt  }
0x49: {  	_ =	shalt  }
0x4a: {  	_ =	shalt  }
0x4b: {  	_ =	shalt  }
0x4c: {  	_ =	shalt  }
0x4d: {  	_ =	shalt  }
0x4e: {  	_ =	shalt  }
0x4f: {  	_ =	shalt  }
0x50: {  	_ =	shalt  }
0x51: {  	_ =	shalt  }
0x52: {  	_ =	shalt  }
0x53: {  	_ =	shalt  }
0x54: {  	_ =	shalt  }
0x55: {  	_ =	shalt  }
0x56: {  	_ =	shalt  }
0x57: {  	_ =	shalt  }
0x58: {  	_ =	shalt  }
0x59: {  	_ =	shalt  }
0x5a: {  	_ =	shalt  }
0x5b: {  	_ =	shalt  }
0x5c: {  	_ =	shalt  }
0x5d: {  	_ =	shalt  }
0x5e: {  	_ =	shalt  }
0x5f: {  	_ =	shalt  }
0x60: {  	_ =	shalt  }
0x61: {  	_ =	shalt  }
0x62: {  	_ =	shalt  }
0x63: {  	_ =	shalt  }
0x64: {  	_ =	shalt  }
0x65: {  	_ =	shalt  }
0x66: {  	_ =	shalt  }
0x67: {  	_ =	shalt  }
0x68: {  	_ =	shalt  }
0x69: {  	_ =	shalt  }
0x6a: {  	_ =	shalt  }
0x6b: {  	_ =	shalt  }
0x6c: {  	_ =	shalt  }
0x6d: {  	_ =	shalt  }
0x6e: {  	_ =	shalt  }
0x6f: {  	_ =	shalt  }
0x70: {  	_ =	shalt  }
0x71: {  	_ =	shalt  }
0x72: {  	_ =	shalt  }
0x73: {  	_ =	shalt  }
0x74: {  	_ =	shalt  }
0x75: {  	_ =	shalt  }
0x76: {  	_ =	shalt  }
0x77: {  	_ =	shalt  }
0x78: {  	_ =	shalt  }
0x79: {  	_ =	shalt  }
0x7a: {  	_ =	shalt  }
0x7b: {  	_ =	shalt  }
0x7c: {  	_ =	shalt  }
0x7d: {  	_ =	shalt  }
0x7e: {  	_ =	shalt  }
0x7f: {  	_ =	shalt  }
0x80: {  	_ =	shalt  }
0x81: {  	_ =	shalt  }
0x82: {  	_ =	shalt  }
0x83: {  	_ =	shalt  }
0x84: {  	_ =	shalt  }
0x85: {  	_ =	shalt  }
0x86: {  	_ =	shalt  }
0x87: {  	_ =	shalt  }
.Lfunc_end0:
.L_simem_size_0:
called_computation_lowered:
.L_overlay_start_0:
0x88: {  	s2 =	sld [smem:$0x3FD9]  }
0x89: {  	s3 =	sld [smem:$0x3FFE];
	_ =	sdelay $0x1  }
0x8a: {  	s1 =	srdreg.scid  }
0x8b: {  	s0 =	sand.u32 $0x1, s1  }
0x8c: {  	s17 =	sshll.u32 s0, $0xA;
	s2 =	sadd.s32 s3, s2  }
0x8d: {  	s2 =	sadd.s32 s2, s17  }
0x8e: {  	[smem:$0x3FC6] =	sst s2  }
0x8f: {  	_ = 	snop  }
0x90: {  	s2 =	sld [smem:$0x3FD0];
	(tm) =	ssettm $0x1  }
0x91: {  	s18 =	sld [smem:$0x3FFB];
	_ =	sdelay $0x3  }
0x92: {  	_ =	strace s18  }
0x93: {  	s3 =	sld [smem:$0x3FFC];
	_ =	sdelay $0x3  }
0x94: {  	_ =	strace s3  }
0x95: {  	s3 =	sld [smem:$0x3FFD];
	_ =	sdelay $0x3  }
0x96: {  	_ =	strace s3  }
0x97: {  	_ =	strace $0x8FFFFFFF  }
0x98: {  	s19 =	sld [smem:$0x3FDB];
	_ =	sdelay $0x1  }
0x99: {  	s4 =	simm.s32 $_scs_section_size  }
0x9a: {  	s5 =	simm.s32 $_size__tile_overlayer_lowered;
	s6 =	simm.s32 $_tile_overlayer_lowered  }
0x9b: {  	s22 =	simm.s32 $0x1BFF;
	s21 =	sshll.u32 s6, $0x1;
	s3 =	sadd.s32 s4, s19  }
0x9c: {  	s7 =	simm.s32 $0x0;
	s20 =	sshll.u32 s5, $0x1;
	s5 =	sadd.s32 s21, s3  }
0x9d: {  	[timem:s7], [sflag:s22] =	dma.local [hbm:s5], s20  }
0x9e: {  	_ =	swait.ge [sflag:s22], s20  }
0x9f: {  	s4 =	ssub.s32 $0x0, s20;
	[sflag:s22] =	ssyncset.done $0x0  }
0xa0: {  	[sflag:s22] =	ssyncadd.s32 s4;
	_ =	sdelay $0x1  }
0xa1: {  	s23 =	simm.s32 $0x1B8B  }
0xa2: {  	_ =	swait.ge [sflag:s23], $0x1  }
0xa3: {  	[sflag:s23] =	ssyncset.done $0x0  }
0xa4: {  	s25 =	simm.s32 $0x1B8E;
	s24 =	sld [smem:$0x3FFE];
	[sflag:s23] =	ssyncadd.s32 $0xFFFFFFFF  }
0xa5: {  	s26 =	simm.s32 $execute0_lowered;
	[smem:$0x3FD2] =	sst s25  }
0xa6: {  	s5 =	sshll.u32 s26, $0x1;
	_ =	strace $0x80000046;
	[dreg:$0x1] =	wrdreg $0xFFFFFFFF  }
0xa7: {  	s28 =	simm.s32 $_size_execute0_lowered;
	s3 =	sadd.s32 s3, s5;
	[dreg:$0x0] =	wrdreg $0x0  }
0xa8: {  	s5 =	sshll.u32 s28, $0x1;
	[dreg:$0x2] =	wrdreg s3  }
0xa9: {  	[dreg:$0x3] =	wrdreg s5  }
0xaa: {  	[dreg:$0x4] =	wrdreg $0xC0  }
0xab: {  	_ =	task [dreg:s7], $0x5FFFF  }
0xac: {  	[dreg:$0x1] =	wrdreg $0xFFFFFFFF  }
0xad: {  	[dreg:$0x0] =	wrdreg $0x60  }
0xae: {  	[dreg:$0x2] =	wrdreg s2  }
0xaf: {  	[dreg:$0x3] =	wrdreg s24  }
0xb0: {  	[dreg:$0x4] =	wrdreg $0x9  }
0xb1: {  	_ =	task.clear_ibuf [dreg:s7], $0x5FFFF;
	_ =	strace $0x90000046  }
0xb2: {  	s29 =	simm.s32 $0x9;
	_ =	strace $0x80000048  }
0xb3: {  	_ =	swait.ge [sflag:s29], $0x1  }
0xb4: {  	[sflag:s29] =	ssyncadd.s32 $0xFFFFFFFF  }
0xb5: {  	_ =	strace $0x90000048  }
0xb6: {  	_ =	sfence  }
0xb7: {  	s30 =	sld [smem:$0x0];
	_ =	sdelay $0x2  }
0xb8: {  	s31 =	sshll.u32 s1, $0xD;
	s1 =	sshrl.u32 s1, $0x2  }
0xb9: {  	s3 =	sand.u32 $0x4000, s31;
	s1 =	sadd.s32 s1, s30  }
0xba: {  	s0 =	sor.u32 s3, s0;
	s1 =	sshll.u32 s1, $0x11  }
0xbb: {  	s0 =	sor.u32 s1, s0  }
0xbc: {  	s0 =	sadd.s32 $0x8F2B, s0  }
0xbd: {  	[sflag:s0] =	ssyncadd.remote.s32 $0x1  }
0xbe: {  	_ =	sfence.sel $0xFFFF  }
0xbf: {  	[dreg:$0x0] =	wrdreg $0xFFFFFFFF;
	(pc) =	sbr.abs _section_cstart, $3  }
0xc0: {  	[dreg:$0x1] =	wrdreg $0xFFFFFFFF  }
0xc1: {  	_ =	task.clear_ibuf [dreg:s7], $0x2FFFF;
	_ =	strace $0x9FFFFFFF  }
0xc2: {  	(tm) =	ssettm $0x7FFFFFFF  }
0xc3: {  	_ =	shalt  }
tec
execute0_lowered:
.L_overlay_start_1:
0x0: {  	(tag) =	ssettag $0x1  }
0x1: {  	s0 =	rddreg [dreg:$0x1];
	s3 =	simm.s32 $0x0;
	s1 =	srdreg.scid  }
0x2: {  	s4 =	stileid.u32;
	s12 =	simm.s32 $0x1;
	s16 =	simm.s32 $0x9400  }
0x3: {  	s17 =	simm.s32 $0xB400;
	s18 =	simm.s32 $0xD400;
	s19 =	simm.s32 $0x5000  }
0x4: {  	s20 =	simm.s32 $0x6100;
	s21 =	simm.s32 $0x7200;
	s22 =	simm.s32 $0x8300  }
0x5: {  	s23 =	simm.s32 $0x3000;
	s24 =	simm.s32 $0x4000;
	s25 =	simm.s32 $0xD780  }
0x6: {  	s28 =	simm.s32 $0xD980;
	s29 =	simm.s32 $0xDA00;
	s30 =	simm.s32 $0x0  }
0x7: {  	[smem:$0x7FF] =	sst s3;
	s1 =	sand.u32 $0x1, s1;
	s4 =	sshll.u32 s4, $0x8  }
0x8: {  	s7 =	sadd.s32 $0x600, s0;
	s2 =	ssub.s32 $0x2, s1;
	s1 =	sshll.u32 s1, $0x7  }
0x9: {  	s0 =	sadd.s32 $0xC00, s0;
	s5 =	sshrl.u32 s2, $0x1;
	s4 =	sor.u32 s1, s4  }
0xa: {  	_ =	strace $0x80000047;
	s26 =	ssub.s32 s2, s5;
	s31 =	sshrl.u32 s4, $0x3  }
0xb: {  	v0 =	vimm.s32 $0x0;
	v1 =	vimm.f32 $+Inf;
	s5 =	sadd.s32 s7, s31;
	s9 =	sor.u32 $0x200, s31;
	s10 =	sor.u32 $0x400, s31  }
0xc: {  	v2 =	vimm.f32 $0.0e+00;
	v3 =	vimm.s32 $0xFFF00000;
	v4 =	vlaneseq.u32;
	s8 =	sadd.s32 s0, s31;
	s11 =	smax.u32 s26, $0x1;
	s6 =	sadd.s32 s7, s9  }
0xd: {  	v5 =	vimm.s32 $0x100000;
	v7 =	vimm.s32 $0x1;
	v6 =	vmul.u32 $0x200, v4;
	s7 =	sadd.s32 s7, s10;
	s9 =	sadd.s32 s0, s9;
	s10 =	sadd.s32 s0, s10  }
.LBB2_1:
0xe: {  	s0 =	rddreg [dreg:$0x0]  }
0xf: {  	[tilespmem:s3], [sflag:$0x1] =	stream.linear.gather [hbm4b:s0+s3], $0x3000, $0x38;
	[tilespmem:$0xDA80] =	vst v63  }
0x10: {  	_ =	swait.ge [sflag:s12], $0x3000  }
0x11: {  	[sflag:s12] =	ssyncset.done $0x0  }
0x12: {  	s15 =	simm.s32 $0xD600;
	[sflag:s12] =	ssyncadd.s32 $0xFFFFD000  }
0x13: {  	[tilespmem:s15], [sflag:$0x1] =	stream.linear.gather [hbm4b:s5+s3], $0x80, $0x38;
	[tilespmem:$0xDA80] =	vst v63  }
0x14: {  	_ =	swait.ge [sflag:s12], $0x80  }
0x15: {  	[sflag:s12] =	ssyncset.done $0x0  }
0x16: {  	s26 =	simm.s32 $0xD680;
	[sflag:s12] =	ssyncadd.s32 $0xFFFFFF80  }
0x17: {  	[tilespmem:s26], [sflag:$0x1] =	stream.linear.gather [hbm4b:s6+s3], $0x80, $0x38;
	[tilespmem:$0xDA80] =	vst v63  }
0x18: {  	_ =	swait.ge [sflag:s12], $0x80  }
0x19: {  	[sflag:s12] =	ssyncset.done $0x0  }
0x1a: {  	s31 =	simm.s32 $0xD700;
	[sflag:s12] =	ssyncadd.s32 $0xFFFFFF80  }
0x1b: {  	[tilespmem:s31], [sflag:$0x1] =	stream.linear.gather [hbm4b:s7+s3], $0x80, $0x38;
	[tilespmem:$0xDA80] =	vst v63  }
0x1c: {  	_ =	swait.ge [sflag:s12], $0x80  }
0x1d: {  	[sflag:s12] =	ssyncset.done $0x0  }
0x1e: {  	s1 =	simm.s32 $0x0;
	s0 =	simm.s32 $0x40;
	[sflag:s12] =	ssyncadd.s32 $0xFFFFFF80  }
.LBB2_2:
0x1f: {  	p0 =	sne.s32 s0, $0x7FC0;
	[tilespmem:s1+$0x9400] =	vst v0;
	s1 =	smov.u32 s0;
	s0 =	sadd.s32 $0x40, s0  }
.Ltmp0:
0x20: {  	(pc) =	sbr.rel @p0 .LBB2_2-.Ltmp0, $2  }
0x21: {  	_ =	sdelay $0x2  }
0x22: {  	s1 =	sshra.s32 s1, $0x2  }
0x23: {  	[tilespmem:s1+$0x9400] =	vst v0  }
0x24: {  	[tilespmem:$0x5000] =	vst v1  }
0x25: {  	[tilespmem:$0x6100] =	vst v2  }
0x26: {  	[tilespmem:$0x7200] =	vst v2  }
0x27: {  	[tilespmem:$0x8300] =	vst v3  }
0x28: {  	[tilespmem:$0x6080] =	vst v1  }
0x29: {  	[tilespmem:$0x7180] =	vst v2  }
0x2a: {  	[tilespmem:$0x8280] =	vst v2  }
0x2b: {  	[tilespmem:$0x9380] =	vst v5  }
0x2c: {  	[tilespmem:$0x5010] =	vst v1  }
0x2d: {  	[tilespmem:$0x6110] =	vst v2  }
0x2e: {  	[tilespmem:$0x7210] =	vst v2  }
0x2f: {  	[tilespmem:$0x8310] =	vst v3  }
0x30: {  	[tilespmem:$0x6090] =	vst v1  }
0x31: {  	[tilespmem:$0x7190] =	vst v2  }
0x32: {  	[tilespmem:$0x8290] =	vst v2  }
0x33: {  	[tilespmem:$0x9390] =	vst v5  }
0x34: {  	[tilespmem:$0x5020] =	vst v1  }
0x35: {  	[tilespmem:$0x6120] =	vst v2  }
0x36: {  	[tilespmem:$0x7220] =	vst v2  }
0x37: {  	[tilespmem:$0x8320] =	vst v3  }
0x38: {  	[tilespmem:$0x60A0] =	vst v1  }
0x39: {  	[tilespmem:$0x71A0] =	vst v2  }
0x3a: {  	[tilespmem:$0x82A0] =	vst v2  }
0x3b: {  	[tilespmem:$0x93A0] =	vst v5  }
0x3c: {  	[tilespmem:$0x5030] =	vst v1  }
0x3d: {  	[tilespmem:$0x6130] =	vst v2  }
0x3e: {  	[tilespmem:$0x7230] =	vst v2  }
0x3f: {  	[tilespmem:$0x8330] =	vst v3  }
0x40: {  	[tilespmem:$0x60B0] =	vst v1  }
0x41: {  	[tilespmem:$0x71B0] =	vst v2  }
0x42: {  	[tilespmem:$0x82B0] =	vst v2  }
0x43: {  	[tilespmem:$0x93B0] =	vst v5  }
0x44: {  	[tilespmem:$0x5040] =	vst v1  }
0x45: {  	[tilespmem:$0x6140] =	vst v2  }
0x46: {  	[tilespmem:$0x7240] =	vst v2  }
0x47: {  	[tilespmem:$0x8340] =	vst v3  }
0x48: {  	[tilespmem:$0x60C0] =	vst v1  }
0x49: {  	[tilespmem:$0x71C0] =	vst v2  }
0x4a: {  	[tilespmem:$0x82C0] =	vst v2  }
0x4b: {  	[tilespmem:$0x93C0] =	vst v5  }
0x4c: {  	[tilespmem:$0x5050] =	vst v1  }
0x4d: {  	[tilespmem:$0x6150] =	vst v2  }
0x4e: {  	[tilespmem:$0x7250] =	vst v2  }
0x4f: {  	[tilespmem:$0x8350] =	vst v3  }
0x50: {  	[tilespmem:$0x60D0] =	vst v1  }
0x51: {  	[tilespmem:$0x71D0] =	vst v2  }
0x52: {  	[tilespmem:$0x82D0] =	vst v2  }
0x53: {  	[tilespmem:$0x93D0] =	vst v5  }
0x54: {  	[tilespmem:$0x5060] =	vst v1  }
0x55: {  	[tilespmem:$0x6160] =	vst v2  }
0x56: {  	[tilespmem:$0x7260] =	vst v2  }
0x57: {  	[tilespmem:$0x8360] =	vst v3  }
0x58: {  	[tilespmem:$0x60E0] =	vst v1  }
0x59: {  	[tilespmem:$0x71E0] =	vst v2  }
0x5a: {  	[tilespmem:$0x82E0] =	vst v2  }
0x5b: {  	[tilespmem:$0x93E0] =	vst v5  }
0x5c: {  	[tilespmem:$0x5070] =	vst v1  }
0x5d: {  	[tilespmem:$0x6170] =	vst v2  }
0x5e: {  	[tilespmem:$0x7270] =	vst v2  }
0x5f: {  	[tilespmem:$0x8370] =	vst v3  }
0x60: {  	[tilespmem:$0x60F0] =	vst v1  }
0x61: {  	[tilespmem:$0x71F0] =	vst v2  }
0x62: {  	[tilespmem:$0x82F0] =	vst v2  }
0x63: {  	s0 =	simm.s32 $0x0;
	s1 =	simm.s32 $0x40;
	[tilespmem:$0x93F0] =	vst v5  }
.LBB2_4:
0x64: {  	p0 =	sne.s32 s1, $0x3FC0;
	v8 =	vld [tilespmem:s0+$0x0];
	_ =	sdelay $0x4  }
0x65: {  	v8 =	vadd.f32 $1.600000000e+01, v8;
	_ =	sdelay $0x1  }
0x66: {  	v8 =	vmul.f32 $1.600000000e+01, v8;
	_ =	sdelay $0x1  }
0x67: {  	v8 =	vclamp.gez.f32 v8, $5.110000000e+02  }
0x68: {  	v8 =	vtrunc.f32 v8  }
0x69: {  	v8 =	vcvt.f32.s32 v8;
	_ =	sdelay $0x1  }
0x6a: {  	v9 =	vadd.s32 v6, v8  }
.Ltmp1:
0x6b: {  	(pc) =	sbr.rel @p0 .LBB2_4-.Ltmp1, $3  }
0x6c: {  	_ =	sdelay $0x1  }
0x6d: {  	[tilespmem:s0+$0x3000] =	vst v8  }
0x6e: {  	s0 =	sshra.s32 s1, $0x2;
	s1 =	sadd.s32 $0x40, s1;
	[tilespmem:v9+s16+$0x0] =	vst.idx.add.s32.msk $0xffff, v7  }
0x6f: {  	v8 =	vld [tilespmem:s0+$0x0];
	_ =	sdelay $0x4  }
0x70: {  	v8 =	vadd.f32 $1.600000000e+01, v8;
	_ =	sdelay $0x1  }
0x71: {  	v8 =	vmul.f32 $1.600000000e+01, v8;
	_ =	sdelay $0x1  }
0x72: {  	v8 =	vclamp.gez.f32 v8, $5.110000000e+02  }
0x73: {  	v8 =	vtrunc.f32 v8  }
0x74: {  	v8 =	vcvt.f32.s32 v8;
	_ =	sdelay $0x1  }
0x75: {  	v9 =	vadd.s32 v6, v8;
	_ =	sdelay $0x3  }
0x76: {  	[tilespmem:s0+$0x3000] =	vst v8  }
0x77: {  	s0 =	simm.s32 $0x0;
	[tilespmem:v9+s16+$0x0] =	vst.idx.add.s32.msk $0xffff, v7  }
0x78: {  	v8 =	vld [tilespmem:s0+$0x9400];
	[tilespmem:s0+$0x9400] =	vst v0  }
0x79: {  	v9 =	vld [tilespmem:s0+$0x9600];
	[tilespmem:s0+$0x9600] =	vst v0  }
0x7a: {  	v10 =	vld [tilespmem:s0+$0x9800];
	[tilespmem:s0+$0x9800] =	vst v0  }
0x7b: {  	v11 =	vld [tilespmem:s0+$0x9A00];
	[tilespmem:s0+$0x9A00] =	vst v0  }
0x7c: {  	v12 =	vld [tilespmem:s0+$0x9C00];
	[tilespmem:s0+$0x9C00] =	vst v0  }
0x7d: {  	v13 =	vld [tilespmem:s0+$0x9E00];
	[tilespmem:s0+$0x9E00] =	vst v0  }
0x7e: {  	v14 =	vld [tilespmem:s0+$0xA000];
	[tilespmem:s0+$0xA000] =	vst v0  }
0x7f: {  	v15 =	vld [tilespmem:s0+$0xA200];
	[tilespmem:s0+$0xA200] =	vst v0  }
0x80: {  	v16 =	vld [tilespmem:s0+$0xA400];
	[tilespmem:s0+$0xA400] =	vst v0  }
0x81: {  	v17 =	vld [tilespmem:s0+$0xA600];
	[tilespmem:s0+$0xA600] =	vst v0  }
0x82: {  	v18 =	vld [tilespmem:s0+$0xA800];
	[tilespmem:s0+$0xA800] =	vst v0  }
0x83: {  	v19 =	vld [tilespmem:s0+$0xAA00];
	[tilespmem:s0+$0xAA00] =	vst v0  }
0x84: {  	v20 =	vld [tilespmem:s0+$0xAC00];
	[tilespmem:s0+$0xAC00] =	vst v0;
	v9 =	vadd.s32 v8, v9  }
0x85: {  	v21 =	vld [tilespmem:s0+$0xAE00];
	[tilespmem:s0+$0xAE00] =	vst v0;
	v10 =	vadd.s32 v9, v10  }
0x86: {  	v22 =	vld [tilespmem:s0+$0xB000];
	[tilespmem:s0+$0xB000] =	vst v0;
	v11 =	vadd.s32 v10, v11  }
0x87: {  	v23 =	vld [tilespmem:s0+$0xB200];
	[tilespmem:s0+$0xB200] =	vst v0;
	v12 =	vadd.s32 v11, v12  }
0x88: {  	v13 =	vadd.s32 v12, v13;
	[tilespmem:s0+$0xBE00] =	vst v12  }
0x89: {  	v14 =	vadd.s32 v13, v14;
	[tilespmem:s0+$0xC000] =	vst v13  }
0x8a: {  	v15 =	vadd.s32 v14, v15;
	[tilespmem:s0+$0xC200] =	vst v14  }
0x8b: {  	v16 =	vadd.s32 v15, v16;
	[tilespmem:s0+$0xC400] =	vst v15  }
0x8c: {  	v17 =	vadd.s32 v16, v17;
	[tilespmem:s0+$0xC600] =	vst v16  }
0x8d: {  	v18 =	vadd.s32 v17, v18;
	[tilespmem:s0+$0xC800] =	vst v17  }
0x8e: {  	[tilespmem:s0+$0xCA00] =	vst v18;
	v18 =	vadd.s32 v18, v19  }
0x8f: {  	[tilespmem:s0+$0xCC00] =	vst v18;
	v18 =	vadd.s32 v18, v20  }
0x90: {  	[tilespmem:s0+$0xCE00] =	vst v18;
	v18 =	vadd.s32 v18, v21  }
0x91: {  	[tilespmem:s0+$0xD000] =	vst v18;
	v18 =	vadd.s32 v18, v22  }
0x92: {  	[tilespmem:s0+$0xD200] =	vst v18;
	v18 =	vadd.s32 v18, v23  }
0x93: {  	s1 =	simm.s32 $0x40;
	s2 =	simm.s32 $0x80;
	[tilespmem:s0+$0xD400] =	vst v18  }
.LBB2_6:
0x94: {  	p0 =	sne.s32 s2, $0x7C0;
	[tilespmem:s0+$0xBC00] =	vst v11  }
0x95: {  	[tilespmem:s0+$0xBA00] =	vst v10  }
0x96: {  	[tilespmem:s0+$0xB800] =	vst v9  }
0x97: {  	[tilespmem:s0+$0xB600] =	vst v8  }
0x98: {  	[tilespmem:s0+$0xB400] =	vst v0;
	s0 =	sshra.s32 s1, $0x2;
	s1 =	smov.u32 s2  }
0x99: {  	v8 =	vld [tilespmem:s0+$0x9400];
	[tilespmem:s0+$0x9400] =	vst v0  }
0x9a: {  	v9 =	vld [tilespmem:s0+$0x9600];
	[tilespmem:s0+$0x9600] =	vst v0  }
0x9b: {  	v10 =	vld [tilespmem:s0+$0x9800];
	[tilespmem:s0+$0x9800] =	vst v0  }
0x9c: {  	v11 =	vld [tilespmem:s0+$0x9A00];
	[tilespmem:s0+$0x9A00] =	vst v0  }
0x9d: {  	v12 =	vld [tilespmem:s0+$0x9C00];
	[tilespmem:s0+$0x9C00] =	vst v0  }
0x9e: {  	v13 =	vld [tilespmem:s0+$0x9E00];
	[tilespmem:s0+$0x9E00] =	vst v0  }
0x9f: {  	v9 =	vadd.s32 v8, v9;
	v14 =	vld [tilespmem:s0+$0xA000];
	[tilespmem:s0+$0xA000] =	vst v0  }
0xa0: {  	v10 =	vadd.s32 v9, v10;
	v15 =	vld [tilespmem:s0+$0xA200];
	[tilespmem:s0+$0xA200] =	vst v0  }
0xa1: {  	v11 =	vadd.s32 v10, v11;
	v16 =	vld [tilespmem:s0+$0xA400];
	[tilespmem:s0+$0xA400] =	vst v0  }
0xa2: {  	v12 =	vadd.s32 v11, v12;
	v17 =	vld [tilespmem:s0+$0xA600];
	[tilespmem:s0+$0xA600] =	vst v0  }
0xa3: {  	v13 =	vadd.s32 v12, v13;
	v18 =	vld [tilespmem:s0+$0xA800];
	[tilespmem:s0+$0xA800] =	vst v0  }
0xa4: {  	v14 =	vadd.s32 v13, v14;
	v19 =	vld [tilespmem:s0+$0xAA00];
	[tilespmem:s0+$0xAA00] =	vst v0  }
0xa5: {  	v15 =	vadd.s32 v14, v15;
	v20 =	vld [tilespmem:s0+$0xAC00];
	[tilespmem:s0+$0xAC00] =	vst v0  }
0xa6: {  	v16 =	vadd.s32 v15, v16;
	v21 =	vld [tilespmem:s0+$0xAE00];
	[tilespmem:s0+$0xAE00] =	vst v0  }
0xa7: {  	v17 =	vadd.s32 v16, v17;
	v22 =	vld [tilespmem:s0+$0xB000];
	[tilespmem:s0+$0xB000] =	vst v0  }
0xa8: {  	v18 =	vadd.s32 v17, v18;
	v23 =	vld [tilespmem:s0+$0xB200];
	[tilespmem:s0+$0xB200] =	vst v0  }
0xa9: {  	[tilespmem:s0+$0xCA00] =	vst v18;
	v18 =	vadd.s32 v18, v19  }
0xaa: {  	[tilespmem:s0+$0xCC00] =	vst v18;
	v18 =	vadd.s32 v18, v20  }
0xab: {  	[tilespmem:s0+$0xCE00] =	vst v18;
	v18 =	vadd.s32 v18, v21  }
0xac: {  	[tilespmem:s0+$0xD000] =	vst v18;
	v18 =	vadd.s32 v18, v22  }
0xad: {  	[tilespmem:s0+$0xD200] =	vst v18;
	v18 =	vadd.s32 v18, v23  }
0xae: {  	[tilespmem:s0+$0xD400] =	vst v18  }
0xaf: {  	[tilespmem:s0+$0xC800] =	vst v17  }
.Ltmp2:
0xb0: {  	[tilespmem:s0+$0xC600] =	vst v16;
	(pc) =	sbr.rel @p0 .LBB2_6-.Ltmp2, $4  }
0xb1: {  	[tilespmem:s0+$0xC400] =	vst v15  }
0xb2: {  	[tilespmem:s0+$0xC200] =	vst v14  }
0xb3: {  	[tilespmem:s0+$0xC000] =	vst v13  }
0xb4: {  	s2 =	sadd.s32 $0x40, s2;
	[tilespmem:s0+$0xBE00] =	vst v12  }
0xb5: {  	[tilespmem:s0+$0xBC00] =	vst v11  }
0xb6: {  	[tilespmem:s0+$0xBA00] =	vst v10  }
0xb7: {  	[tilespmem:s0+$0xB800] =	vst v9  }
0xb8: {  	[tilespmem:s0+$0xB600] =	vst v8  }
0xb9: {  	s1 =	sshra.s32 s1, $0x2;
	[tilespmem:s0+$0xB400] =	vst v0  }
0xba: {  	v8 =	vld [tilespmem:s1+$0x9400];
	[tilespmem:s1+$0x9400] =	vst v0  }
0xbb: {  	v9 =	vld [tilespmem:s1+$0x9600];
	[tilespmem:s1+$0x9600] =	vst v0  }
0xbc: {  	v10 =	vld [tilespmem:s1+$0x9800];
	[tilespmem:s1+$0x9800] =	vst v0  }
0xbd: {  	v11 =	vld [tilespmem:s1+$0x9A00];
	[tilespmem:s1+$0x9A00] =	vst v0  }
0xbe: {  	v12 =	vld [tilespmem:s1+$0x9C00];
	[tilespmem:s1+$0x9C00] =	vst v0  }
0xbf: {  	v13 =	vld [tilespmem:s1+$0x9E00];
	[tilespmem:s1+$0x9E00] =	vst v0  }
0xc0: {  	v14 =	vld [tilespmem:s1+$0xA000];
	[tilespmem:s1+$0xA000] =	vst v0  }
0xc1: {  	v15 =	vld [tilespmem:s1+$0xA200];
	[tilespmem:s1+$0xA200] =	vst v0  }
0xc2: {  	v16 =	vld [tilespmem:s1+$0xA400];
	[tilespmem:s1+$0xA400] =	vst v0  }
0xc3: {  	v17 =	vld [tilespmem:s1+$0xA600];
	[tilespmem:s1+$0xA600] =	vst v0  }
0xc4: {  	v18 =	vld [tilespmem:s1+$0xA800];
	[tilespmem:s1+$0xA800] =	vst v0  }
0xc5: {  	v19 =	vld [tilespmem:s1+$0xAA00];
	[tilespmem:s1+$0xAA00] =	vst v0  }
0xc6: {  	v20 =	vld [tilespmem:s1+$0xAC00];
	[tilespmem:s1+$0xAC00] =	vst v0  }
0xc7: {  	v21 =	vld [tilespmem:s1+$0xAE00];
	[tilespmem:s1+$0xAE00] =	vst v0  }
0xc8: {  	v22 =	vld [tilespmem:s1+$0xB000];
	[tilespmem:s1+$0xB000] =	vst v0  }
0xc9: {  	v23 =	vld [tilespmem:s1+$0xB200];
	[tilespmem:s1+$0xB200] =	vst v0  }
0xca: {  	[tilespmem:s1+$0xB400] =	vst v0  }
0xcb: {  	v9 =	vadd.s32 v8, v9;
	[tilespmem:s1+$0xB600] =	vst v8  }
0xcc: {  	v10 =	vadd.s32 v9, v10;
	[tilespmem:s1+$0xB800] =	vst v9  }
0xcd: {  	v11 =	vadd.s32 v10, v11;
	[tilespmem:s1+$0xBA00] =	vst v10  }
0xce: {  	v12 =	vadd.s32 v11, v12;
	[tilespmem:s1+$0xBC00] =	vst v11  }
0xcf: {  	v13 =	vadd.s32 v12, v13;
	[tilespmem:s1+$0xBE00] =	vst v12  }
0xd0: {  	v14 =	vadd.s32 v13, v14;
	[tilespmem:s1+$0xC000] =	vst v13  }
0xd1: {  	v15 =	vadd.s32 v14, v15;
	[tilespmem:s1+$0xC200] =	vst v14  }
0xd2: {  	v16 =	vadd.s32 v15, v16;
	[tilespmem:s1+$0xC400] =	vst v15  }
0xd3: {  	v17 =	vadd.s32 v16, v17;
	[tilespmem:s1+$0xC600] =	vst v16  }
0xd4: {  	v18 =	vadd.s32 v17, v18;
	[tilespmem:s1+$0xC800] =	vst v17  }
0xd5: {  	p1 =	por $0x1, $0x1;
	[tilespmem:s1+$0xCA00] =	vst v18;
	v18 =	vadd.s32 v18, v19  }
.Ltmp3:
0xd6: {  	[tilespmem:s1+$0xCC00] =	vst v18;
	v18 =	vadd.s32 v18, v20;
	(pc) =	sbr.rel @!p1 .LBB2_8-.Ltmp3, $4  }
0xd7: {  	[tilespmem:s1+$0xCE00] =	vst v18;
	v18 =	vadd.s32 v18, v21  }
0xd8: {  	[tilespmem:s1+$0xD000] =	vst v18;
	v18 =	vadd.s32 v18, v22  }
0xd9: {  	[tilespmem:s1+$0xD200] =	vst v18;
	v18 =	vadd.s32 v18, v23  }
0xda: {  	s0 =	simm.s32 $0x0;
	s14 =	simm.s32 $0x0;
	p0 =	por $0x0, $0x0;
	[tilespmem:s1+$0xD400] =	vst v18  }
0xdb: {  	v8 =	vld [tilespmem:s14+$0xD400];
	_ =	sdelay $0x4  }
0xdc: {  	(xrf0) =	vadd.scan.msk.s32 $0xffff, v8;
	_ =	sdelay $0x4  }
0xdd: {  	p1 =	por $0x1, $0x1  }
.Ltmp4:
0xde: {  	v9, _, _ =	vpop (xrf0);
	(pc) =	sbr.rel @!p1 .LBB2_10-.Ltmp4, $4  }
0xdf: {  	(v2sf) =	vpush v9, $0xF  }
0xe0: {  	v8 =	vsub.s32 s0, v8  }
0xe1: {  	s2 =	simm.s32 $0x10;
	v8 =	vadd.s32 v9, v8  }
0xe2: {  	s13 =	simm.s32 $0x80;
	p0 =	por $0x1, $0x1;
	s1 =	simm.s32 $0x0;
	[tilespmem:s14+$0xD400] =	vst v8  }
.LBB2_11:
0xe3: {  	p1 =	sne.s32 s13, $0x7C0;
	v8 =	vld [tilespmem:s2+$0xD400];
	_ =	sdelay $0x4  }
0xe4: {  	(xrf0) =	vadd.scan.msk.s32 $0xffff, v8;
	_ =	sdelay $0x5  }
.Ltmp5:
0xe5: {  	v9, _, _ =	vpop (xrf0);
	s14 =	spop (v2sf);
	(pc) =	sbr.rel @p1 .LBB2_11-.Ltmp5, $4  }
0xe6: {  	(v2sf) =	vpush v9, $0xF;
	s1 =	sadd.s32 s1, s14  }
0xe7: {  	v8 =	vsub.s32 s1, v8  }
0xe8: {  	v8 =	vadd.s32 v9, v8  }
0xe9: {  	[tilespmem:s2+$0xD400] =	vst v8;
	s2 =	sshra.s32 s13, $0x2;
	s13 =	sadd.s32 $0x40, s13  }
0xea: {  	s14 =	smov.u32 s2  }
.LBB2_13:
0xeb: {  	v8 =	vld [tilespmem:s14+$0xD400];
	_ =	sdelay $0x4  }
0xec: {  	(xrf0) =	vadd.scan.msk.s32 $0xffff, v8;
	_ =	sdelay $0x5  }
0xed: {  	v9, _, _ =	vpop (xrf0)  }
0xee: {  	(v2sf) =	vpush v9, $0xF;
	_ =	sdelay $0x9  }
0xef: {  	s2 =	spop @p0 (v2sf)  }
0xf0: {  	s1 =	sadd.s32 @p0 s1, s2;
	s2 =	simm.s32 $0x0  }
0xf1: {  	s2 =	smov.u32 @p0 s1  }
0xf2: {  	v8 =	vsub.s32 s2, v8  }
0xf3: {  	s13 =	simm.s32 $0x0;
	v8 =	vadd.s32 v9, v8  }
0xf4: {  	s1 =	simm.s32 $0x3000;
	s2 =	simm.s32 $0x4000;
	[tilespmem:s14+$0xD400] =	vst v8;
	s31 =	spop (v2sf)  }
.LBB2_14:
0xf5: {  	v8 =	vld [tilespmem:s1+$0x0];
	_ =	sdelay $0x4  }
0xf6: {  	v9 =	vadd.s32 v6, v8;
	_ =	sdelay $0x4  }
0xf7: {  	v10 =	vld.idx.msk [tilespmem:v9+s16+$0x0], $0xffff  }
0xf8: {  	[tilespmem:v9+s16+$0x0] =	vst.idx.add.s32.msk $0xffff, v7  }
0xf9: {  	v9 =	vld.idx.msk [tilespmem:v9+s17+$0x0], $0xffff  }
0xfa: {  	v11 =	vld.idx.msk [tilespmem:v8+s18+$0x0], $0xffff;
	_ =	sdelay $0x3  }
0xfb: {  	v9 =	vadd.s32 v9, v10  }
0xfc: {  	v9 =	vadd.s32 v11, v9  }
0xfd: {  	v63 =	vld [tilespmem:s0+$0x0];
	v9 =	vadd.s32 $0x80, v9;
	_ =	sdelay $0x4  }
0xfe: {  	s14 =	sand.u32 $0xFF0, s13;
	[tilespmem:v9+s19+$0x0] =	vst.idx.msk $0xffff, v63  }
0xff: {  	v10 =	vld [tilespmem:s14+$0x1000];
	_ =	sdelay $0x4  }
0x100: {  	[tilespmem:v9+s20+$0x0] =	vst.idx.msk $0xffff, v10  }
0x101: {  	v10 =	vld [tilespmem:s14+$0x2000];
	_ =	sdelay $0x1  }
0x102: {  	p0 =	sne.s32 s13, $0xFF0  }
.Ltmp6:
0x103: {  	_ = 	snop;
	(pc) =	sbr.rel @p0 .LBB2_14-.Ltmp6, $4  }
0x104: {  	_ = 	snop  }
0x105: {  	[tilespmem:v9+s21+$0x0] =	vst.idx.msk $0xffff, v10  }
0x106: {  	s1 =	sadd.s32 $0x10, s1;
	[tilespmem:v9+s22+$0x0] =	vst.idx.msk $0xffff, v8  }
0x107: {  	s13 =	sadd.s32 $0x10, s13;
	s0 =	sadd.s32 $0x10, s0;
	[tilespmem:s2+$0x0] =	vst v9;
	s2 =	sadd.s32 $0x10, s2  }
0x108: {  	s31 =	simm.s32 $0x0  }
.LBB2_16:
0x109: {  	s0 =	sor.u32 s4, s31  }
0x10a: {  	v9 =	vmov s0;
	_ =	sdelay $0x4  }
0x10b: {  	v8 =	vld.idx.msk [tilespmem:v9+s23+$0x0], $0xffff;
	_ =	sdelay $0x7  }
0x10c: {  	v8 =	vld.idx.msk [tilespmem:v8+s18+$0x0], $0xffff;
	_ =	sdelay $0x4  }
0x10d: {  	v8 =	vxor.u32 $0x80000000, v8  }
0x10e: {  	(xrf0) =	vmin.scan.msk.u32 $0xffff, v8;
	_ =	sdelay $0x5  }
0x10f: {  	v8, _, _ =	vpop (xrf0)  }
0x110: {  	(v2sf) =	vpush v8, $0xF;
	_ =	sdelay $0x9  }
0x111: {  	v8 =	vld.idx.msk [tilespmem:v9+s24+$0x0], $0xffff  }
0x112: {  	v10 =	vor.u32 $0x1000, v9  }
0x113: {  	v11 =	vor.u32 $0x2000, v9;
	_ =	sdelay $0x2  }
0x114: {  	s0 =	spop (v2sf)  }
0x115: {  	v10 =	vld.idx.msk [tilespmem:v10+s3+$0x0], $0xffff;
	s2 =	sshll.u32 s0, $0x2  }
0x116: {  	v12 =	vimm.f32 $+Inf;
	v11 =	vld.idx.msk [tilespmem:v11+s3+$0x0], $0xffff;
	s1 =	sadd.s32 $0x80000080, s0;
	s2 =	sshra.s32 s2, $0x2  }
0x117: {  	v13 =	vimm.f32 $+Inf;
	v14 =	vimm.f32 $+Inf;
	v9 =	vld.idx.msk [tilespmem:v9+s3+$0x0], $0xffff;
	[tilespmem:v8+s19+$0x0] =	vst.idx.msk $0x1, v12;
	s13 =	sadd.s32 $0x50F0, s2;
	s14 =	sadd.s32 $0x61F0, s2;
	s15 =	sadd.s32 $0x72F0, s2  }
.LBB2_17:
0x118: {  	v15 =	vmov s1;
	_ =	sdelay $0x4  }
0x119: {  	v15 =	vld.idx.msk [tilespmem:v15+s22+$0x0], $0xffff;
	_ =	sdelay $0x2  }
0x11a: {  	v17 =	vld [tilespmem:s13+$0xFFFFFF90]  }
0x11b: {  	v20 =	vld [tilespmem:s13+$0xFFFFFFA0]  }
0x11c: {  	v21 =	vld [tilespmem:s14+$0xFFFFFFA0];
	v16 =	vcvt.s32.f32 v15  }
0x11d: {  	v22 =	vld [tilespmem:s14+$0xFFFFFFB0]  }
0x11e: {  	v28 =	vld [tilespmem:s14+$0xFFFFFFC0];
	v16 =	vmul.f32 $6.250000000e-02, v16  }
0x11f: {  	v24 =	vld [tilespmem:s13+$0xFFFFFFD0]  }
0x120: {  	v16 =	vadd.f32 $-1.600000000e+01, v16  }
0x121: {  	v35 =	vld [tilespmem:s15+$0xFFFFFFD0];
	v17 =	vsub.f32 v17, v9;
	vm0 =	veq.s32 v15, $0x0  }
0x122: {  	v20 =	vsub.f32 v20, v9;
	v21 =	vsub.f32 v21, v10;
	v15 =	vsel vm0, $0xFF61B1E6, v16  }
0x123: {  	v22 =	vsub.f32 v22, v10;
	v15 =	vsub.f32 v15, v9  }
0x124: {  	v53 =	vld [tilespmem:s15+$0xFFFFFF90];
	v34 =	vsub.f32 v28, v10;
	v40 =	vsub.f32 v24, v9  }
0x125: {  	v17 =	vmul.f32 v17, v17;
	v52 =	vmul.f32 v15, v15;
	vm15 =	vgt.f32 v15, $0.0e+00;
	v15 =	vld [tilespmem:s14+$0xFFFFFF90]  }
0x126: {  	v59 =	vld [tilespmem:s15+$0xFFFFFFB0];
	v45 =	vsub.f32 v35, v11;
	v57 =	vmul.f32 v20, v20;
	v58 =	vmul.f32 v21, v21  }
0x127: {  	v56 =	vld [tilespmem:s13+$0xFFFFFFB0];
	v22 =	vmul.f32 v22, v22;
	vm1 =	vlt.f32 v14, v52;
	vm2 =	vlt.f32 v13, v52  }
0x128: {  	v30 =	vld [tilespmem:s14+$0xFFFFFFD0];
	vm3 =	vlt.f32 v12, v52;
	vm1 =	vmand vm15, vm1;
	vm2 =	vmand vm15, vm2  }
0x129: {  	v55 =	vld [tilespmem:s15+$0xFFFFFFA0];
	vm0 =	vmand vm15, vm3;
	v18 =	vsel vm1, $0x1, v0;
	v19 =	vsel vm2, $0x1, v0  }
0x12a: {  	v54 =	vsel vm0, $0x1, v0;
	v18 =	vadd.s32 v19, v18;
	v15 =	vsub.f32 v15, v10  }
0x12b: {  	v62 =	vld [tilespmem:s13+$0xFFFFFFC0];
	v21 =	vsub.f32 v59, v11;
	v16 =	vsub.f32 v53, v11;
	v18 =	vadd.s32 v54, v18  }
0x12c: {  	v29 =	vld [tilespmem:s15+$0xFFFFFFC0];
	v37 =	vmul.f32 v34, v34;
	v19 =	vsub.f32 v56, v9;
	(xrf0) =	vadd.scan.msk.s32 $0xffff, v18;
	v15 =	vmul.f32 v15, v15  }
0x12d: {  	v20 =	vsub.f32 v30, v10;
	v43 =	vmul.f32 v40, v40;
	v16 =	vmul.f32 v16, v16  }
0x12e: {  	v18 =	vsub.f32 v55, v11;
	v19 =	vmul.f32 v19, v19;
	v15 =	vadd.f32 v15, v17  }
0x12f: {  	v48 =	vmul.f32 v45, v45;
	v60 =	vadd.f32 v58, v57;
	v32 =	vmul.f32 v21, v21  }
0x130: {  	v61 =	vmul.f32 v18, v18;
	v31 =	vadd.f32 v22, v19;
	v15 =	vadd.f32 v16, v15  }
0x131: {  	v41 =	vld [tilespmem:s14+$0xFFFFFFE0];
	v44 =	vmul.f32 v20, v20;
	v18 =	vsub.f32 v62, v9;
	v17 =	vsub.f32 v29, v11  }
0x132: {  	v16 =	vadd.f32 v61, v60;
	v23, _, _ =	vpop (xrf0);
	v63 =	vmax.f32 v14, v15;
	v14 =	vmin.f32 v14, v15  }
0x133: {  	(v2sf) =	vpush v23, $0xF;
	v15 =	vmax.f32 v13, v63;
	v13 =	vmin.f32 v13, v63  }
0x134: {  	v52 =	vld [tilespmem:s13+$0x0];
	v12 =	vmin.f32 v12, v15;
	v15 =	vmin.f32 v14, v16;
	v14 =	vmax.f32 v14, v16  }
0x135: {  	v38 =	vld [tilespmem:s13+$0xFFFFFFE0];
	v33 =	vmax.f32 v13, v14;
	v13 =	vmin.f32 v13, v14;
	v14 =	vadd.f32 v32, v31  }
0x136: {  	v46 =	vld [tilespmem:s15+$0xFFFFFFE0];
	v51 =	vsub.f32 v41, v10;
	v36 =	vmul.f32 v18, v18;
	v42 =	vmul.f32 v17, v17  }
0x137: {  	v49 =	vld [tilespmem:s14+$0xFFFFFFF0];
	v12 =	vmin.f32 v12, v33;
	v39 =	vmin.f32 v15, v14;
	v14 =	vmax.f32 v15, v14  }
0x138: {  	v54 =	vld [tilespmem:s14+$0x0];
	v15 =	vadd.f32 v37, v36;
	v47 =	vmin.f32 v13, v14;
	v13 =	vmax.f32 v13, v14  }
0x139: {  	v55 =	vld [tilespmem:s15+$0xFFFFFFF0];
	v59 =	vsub.f32 v52, v9;
	v12 =	vmin.f32 v12, v13;
	v13 =	vadd.f32 v44, v43  }
0x13a: {  	v19 =	vsub.f32 v38, v9;
	v14 =	vadd.f32 v42, v15;
	v15 =	vld [tilespmem:s13+$0xFFFFFFF0]  }
0x13b: {  	v20 =	vmul.f32 v51, v51;
	v22 =	vsub.f32 v46, v11;
	v13 =	vadd.f32 v48, v13  }
0x13c: {  	v19 =	vmul.f32 v19, v19;
	v50 =	vmax.f32 v39, v14;
	v14 =	vmin.f32 v39, v14  }
0x13d: {  	v17 =	vsub.f32 v49, v10;
	v56 =	vmin.f32 v14, v13;
	v13 =	vmax.f32 v14, v13;
	v14 =	vld [tilespmem:s15+$0x0]  }
0x13e: {  	v58 =	vmul.f32 v22, v22;
	v19 =	vadd.f32 v20, v19;
	v23 =	vsub.f32 v55, v11  }
0x13f: {  	v22 =	vmul.f32 v59, v59;
	v16 =	vsub.f32 v54, v10;
	v15 =	vsub.f32 v15, v9  }
0x140: {  	v17 =	vmul.f32 v17, v17;
	v19 =	vadd.f32 v58, v19;
	v60 =	vmul.f32 v23, v23  }
0x141: {  	v16 =	vmul.f32 v16, v16;
	v18 =	vmax.f32 v47, v50;
	v15 =	vmul.f32 v15, v15  }
0x142: {  	s1 =	sadd.s32 $0x80, s1;
	v53 =	vmin.f32 v47, v50;
	v12 =	vmin.f32 v12, v18;
	v14 =	vsub.f32 v14, v11  }
0x143: {  	p0 =	sgt.s32 s1, $0x107F;
	v57 =	vmin.f32 v53, v13;
	v13 =	vmax.f32 v53, v13;
	v15 =	vadd.f32 v17, v15;
	s26 =	spop (v2sf)  }
0x144: {  	v12 =	vmin.f32 v12, v13;
	v13 =	vadd.f32 v16, v22;
	p1 =	slt.s32 @!p0 s26, $0x3;
	v14 =	vmul.f32 v14, v14  }
0x145: {  	v61 =	vmin.f32 v56, v19;
	v18 =	vmax.f32 v56, v19;
	v15 =	vadd.f32 v60, v15;
	p0 =	por p0, !p1  }
.Ltmp7:
0x146: {  	v62 =	vmin.f32 v57, v18;
	v18 =	vmax.f32 v57, v18;
	v13 =	vadd.f32 v14, v13;
	(pc) =	sbr.rel @!p0 .LBB2_17-.Ltmp7, $4  }
0x147: {  	v12 =	vmin.f32 v12, v18;
	v14 =	vmin.f32 v61, v15;
	v15 =	vmax.f32 v61, v15  }
0x148: {  	v16 =	vmin.f32 v62, v15;
	v15 =	vmax.f32 v62, v15;
	v63 =	vmax.f32 v14, v13  }
0x149: {  	v12 =	vmin.f32 v12, v15;
	v15 =	vmax.f32 v16, v63  }
0x14a: {  	s14 =	sadd.s32 $0x80, s14;
	s13 =	sadd.s32 $0x80, s13;
	s15 =	sadd.s32 $0x80, s15;
	v14 =	vmin.f32 v14, v13;
	v13 =	vmin.f32 v16, v63;
	v12 =	vmin.f32 v12, v15  }
0x14b: {  	s0 =	sadd.s32 $0x80000000, s0  }
0x14c: {  	s1 =	sadd.s32 $0x7240, s2;
	s13 =	sadd.s32 $0x6140, s2;
	s2 =	sadd.s32 $0x5040, s2  }
.LBB2_19:
0x14d: {  	s14 =	sadd.s32 $0x7F, s0  }
0x14e: {  	v15 =	vmov s14;
	_ =	sdelay $0x4  }
0x14f: {  	v15 =	vld.idx.msk [tilespmem:v15+s22+$0x0], $0xffff;
	_ =	sdelay $0x3  }
0x150: {  	v17 =	vld [tilespmem:s2+$0x30]  }
0x151: {  	v20 =	vld [tilespmem:s2+$0x20];
	v16 =	vadd.s32 $0x1, v15  }
0x152: {  	v21 =	vld [tilespmem:s13+$0x20];
	v16 =	vcvt.s32.f32 v16  }
0x153: {  	v22 =	vld [tilespmem:s13+$0x10]  }
0x154: {  	v28 =	vld [tilespmem:s13+$0x0];
	v16 =	vmul.f32 $6.250000000e-02, v16  }
0x155: {  	v24 =	vld [tilespmem:s2+$0xFFFFFFF0]  }
0x156: {  	v16 =	vadd.f32 $-1.600000000e+01, v16  }
0x157: {  	v35 =	vld [tilespmem:s1+$0xFFFFFFF0];
	v17 =	vsub.f32 v17, v9;
	vm0 =	veq.s32 v15, $0x1FF  }
0x158: {  	v20 =	vsub.f32 v20, v9;
	v21 =	vsub.f32 v21, v10;
	v15 =	vsel vm0, $0x7F61B1E6, v16  }
0x159: {  	v22 =	vsub.f32 v22, v10;
	v15 =	vsub.f32 v9, v15  }
0x15a: {  	v53 =	vld [tilespmem:s1+$0x30];
	v34 =	vsub.f32 v28, v10;
	v40 =	vsub.f32 v24, v9  }
0x15b: {  	v17 =	vmul.f32 v17, v17;
	v52 =	vmul.f32 v15, v15;
	vm15 =	vgt.f32 v15, $0.0e+00;
	v15 =	vld [tilespmem:s13+$0x30]  }
0x15c: {  	v59 =	vld [tilespmem:s1+$0x10];
	v45 =	vsub.f32 v35, v11;
	v57 =	vmul.f32 v20, v20;
	v58 =	vmul.f32 v21, v21  }
0x15d: {  	v56 =	vld [tilespmem:s2+$0x10];
	v22 =	vmul.f32 v22, v22;
	vm1 =	vlt.f32 v14, v52;
	vm2 =	vlt.f32 v13, v52  }
0x15e: {  	v30 =	vld [tilespmem:s13+$0xFFFFFFF0];
	vm3 =	vlt.f32 v12, v52;
	vm1 =	vmand vm15, vm1;
	vm2 =	vmand vm15, vm2  }
0x15f: {  	v55 =	vld [tilespmem:s1+$0x20];
	vm0 =	vmand vm15, vm3;
	v18 =	vsel vm1, $0x1, v0;
	v19 =	vsel vm2, $0x1, v0  }
0x160: {  	v54 =	vsel vm0, $0x1, v0;
	v18 =	vadd.s32 v19, v18;
	v15 =	vsub.f32 v15, v10  }
0x161: {  	v62 =	vld [tilespmem:s2+$0x0];
	v21 =	vsub.f32 v59, v11;
	v16 =	vsub.f32 v53, v11;
	v18 =	vadd.s32 v54, v18  }
0x162: {  	v29 =	vld [tilespmem:s1+$0x0];
	v37 =	vmul.f32 v34, v34;
	v19 =	vsub.f32 v56, v9;
	(xrf0) =	vadd.scan.msk.s32 $0xffff, v18;
	v15 =	vmul.f32 v15, v15  }
0x163: {  	v20 =	vsub.f32 v30, v10;
	v43 =	vmul.f32 v40, v40;
	v16 =	vmul.f32 v16, v16  }
0x164: {  	v18 =	vsub.f32 v55, v11;
	v19 =	vmul.f32 v19, v19;
	v15 =	vadd.f32 v15, v17  }
0x165: {  	v48 =	vmul.f32 v45, v45;
	v60 =	vadd.f32 v58, v57;
	v32 =	vmul.f32 v21, v21  }
0x166: {  	v61 =	vmul.f32 v18, v18;
	v31 =	vadd.f32 v22, v19;
	v15 =	vadd.f32 v16, v15  }
0x167: {  	v41 =	vld [tilespmem:s13+$0xFFFFFFE0];
	v44 =	vmul.f32 v20, v20;
	v18 =	vsub.f32 v62, v9;
	v17 =	vsub.f32 v29, v11  }
0x168: {  	v16 =	vadd.f32 v61, v60;
	v23, _, _ =	vpop (xrf0);
	v63 =	vmax.f32 v14, v15;
	v14 =	vmin.f32 v14, v15  }
0x169: {  	(v2sf) =	vpush v23, $0xF;
	v15 =	vmax.f32 v13, v63;
	v13 =	vmin.f32 v13, v63  }
0x16a: {  	v52 =	vld [tilespmem:s2+$0xFFFFFFC0];
	v12 =	vmin.f32 v12, v15;
	v15 =	vmin.f32 v14, v16;
	v14 =	vmax.f32 v14, v16  }
0x16b: {  	v38 =	vld [tilespmem:s2+$0xFFFFFFE0];
	v33 =	vmax.f32 v13, v14;
	v13 =	vmin.f32 v13, v14;
	v14 =	vadd.f32 v32, v31  }
0x16c: {  	v46 =	vld [tilespmem:s1+$0xFFFFFFE0];
	v51 =	vsub.f32 v41, v10;
	v36 =	vmul.f32 v18, v18;
	v42 =	vmul.f32 v17, v17  }
0x16d: {  	v49 =	vld [tilespmem:s13+$0xFFFFFFD0];
	v12 =	vmin.f32 v12, v33;
	v39 =	vmin.f32 v15, v14;
	v14 =	vmax.f32 v15, v14  }
0x16e: {  	v54 =	vld [tilespmem:s13+$0xFFFFFFC0];
	v15 =	vadd.f32 v37, v36;
	v47 =	vmin.f32 v13, v14;
	v13 =	vmax.f32 v13, v14  }
0x16f: {  	v55 =	vld [tilespmem:s1+$0xFFFFFFD0];
	v59 =	vsub.f32 v52, v9;
	v12 =	vmin.f32 v12, v13;
	v13 =	vadd.f32 v44, v43  }
0x170: {  	v19 =	vsub.f32 v38, v9;
	v14 =	vadd.f32 v42, v15;
	v15 =	vld [tilespmem:s2+$0xFFFFFFD0]  }
0x171: {  	v20 =	vmul.f32 v51, v51;
	v22 =	vsub.f32 v46, v11;
	v13 =	vadd.f32 v48, v13  }
0x172: {  	v19 =	vmul.f32 v19, v19;
	v50 =	vmax.f32 v39, v14;
	v14 =	vmin.f32 v39, v14  }
0x173: {  	v17 =	vsub.f32 v49, v10;
	v56 =	vmin.f32 v14, v13;
	v13 =	vmax.f32 v14, v13;
	v14 =	vld [tilespmem:s1+$0xFFFFFFC0]  }
0x174: {  	v58 =	vmul.f32 v22, v22;
	v19 =	vadd.f32 v20, v19;
	v23 =	vsub.f32 v55, v11  }
0x175: {  	v22 =	vmul.f32 v59, v59;
	v16 =	vsub.f32 v54, v10;
	v15 =	vsub.f32 v15, v9  }
0x176: {  	v17 =	vmul.f32 v17, v17;
	v19 =	vadd.f32 v58, v19;
	v60 =	vmul.f32 v23, v23  }
0x177: {  	v16 =	vmul.f32 v16, v16;
	v18 =	vmax.f32 v47, v50;
	v15 =	vmul.f32 v15, v15  }
0x178: {  	v53 =	vmin.f32 v47, v50;
	v12 =	vmin.f32 v12, v18;
	v14 =	vsub.f32 v14, v11  }
0x179: {  	p0 =	slt.s32 s0, $0x81;
	v57 =	vmin.f32 v53, v13;
	v13 =	vmax.f32 v53, v13;
	v15 =	vadd.f32 v17, v15;
	s14 =	spop (v2sf)  }
0x17a: {  	v12 =	vmin.f32 v12, v13;
	v13 =	vadd.f32 v16, v22;
	p1 =	slt.s32 @!p0 s14, $0x3;
	v14 =	vmul.f32 v14, v14  }
0x17b: {  	v61 =	vmin.f32 v56, v19;
	v18 =	vmax.f32 v56, v19;
	v15 =	vadd.f32 v60, v15;
	p0 =	por p0, !p1  }
.Ltmp8:
0x17c: {  	v62 =	vmin.f32 v57, v18;
	v18 =	vmax.f32 v57, v18;
	v13 =	vadd.f32 v14, v13;
	(pc) =	sbr.rel @!p0 .LBB2_19-.Ltmp8, $4  }
0x17d: {  	v12 =	vmin.f32 v12, v18;
	v14 =	vmin.f32 v61, v15;
	v15 =	vmax.f32 v61, v15  }
0x17e: {  	v16 =	vmin.f32 v62, v15;
	v15 =	vmax.f32 v62, v15;
	v63 =	vmax.f32 v14, v13  }
0x17f: {  	s0 =	sadd.s32 $0xFFFFFF80, s0;
	v12 =	vmin.f32 v12, v15;
	v15 =	vmax.f32 v16, v63  }
0x180: {  	s13 =	sadd.s32 $0xFFFFFF80, s13;
	s2 =	sadd.s32 $0xFFFFFF80, s2;
	s1 =	sadd.s32 $0xFFFFFF80, s1;
	v14 =	vmin.f32 v14, v13;
	v13 =	vmin.f32 v16, v63;
	v12 =	vmin.f32 v12, v15  }
0x181: {  	(xrf0) =	vmin.scan.msk.f32 $0xffff, v14;
	_ =	sdelay $0x5  }
0x182: {  	v10, _, _ =	vpop (xrf0)  }
0x183: {  	v10 =	vbroadcast v10, $0xF;
	_ =	sdelay $0x1  }
0x184: {  	vm0 =	veq.f32 v14, v10  }
0x185: {  	v11 =	vmctz.xlane vm0;
	_ =	sdelay $0x1  }
0x186: {  	vm0 =	veq.s32 v11, v4  }
0x187: {  	v11 =	vsel vm0, v13, v14  }
0x188: {  	(xrf0) =	vmin.scan.msk.f32 $0xffff, v11;
	_ =	sdelay $0x5  }
0x189: {  	v60, _, _ =	vpop (xrf0)  }
0x18a: {  	v14 =	vbroadcast v60, $0xF;
	_ =	sdelay $0x1  }
0x18b: {  	vm1 =	veq.f32 v11, v14  }
0x18c: {  	v15 =	vmctz.xlane vm1;
	_ =	sdelay $0x1  }
0x18d: {  	v12 =	vsel vm0, v12, v13;
	vm15 =	veq.s32 v15, v4  }
0x18e: {  	v11 =	vsel vm15, v12, v11  }
0x18f: {  	(xrf0) =	vmin.scan.msk.f32 $0xffff, v11;
	_ =	sdelay $0x1  }
0x190: {  	v61 =	vmov s31  }
0x191: {  	s31 =	sadd.s32 $0x1, s31;
	v62 =	vor.u32 $0x80, v61  }
0x192: {  	v63 =	vor.u32 $0x100, v61;
	p0 =	sne.s32 s31, $0x80  }
.Ltmp9:
0x193: {  	_ = 	snop;
	(pc) =	sbr.rel @p0 .LBB2_16-.Ltmp9, $4  }
0x194: {  	[tilespmem:v8+s19+$0x0] =	vst.idx.msk $0x1, v9;
	v8, _, _ =	vpop (xrf0)  }
0x195: {  	[tilespmem:v61+s25+$0x0] =	vst.idx.msk $0x1, v10;
	v8 =	vbroadcast v8, $0xF  }
0x196: {  	[tilespmem:v62+s25+$0x0] =	vst.idx.msk $0x1, v14  }
0x197: {  	[tilespmem:v63+s25+$0x0] =	vst.idx.msk $0x1, v8  }
0x198: {  	s31 =	simm.s32 $0x0  }
0x199: {  	v8 =	vld [tilespmem:s31+$0xD880]  }
0x19a: {  	v9 =	vld [tilespmem:s31+$0xD780]  }
0x19b: {  	v10 =	vld [tilespmem:s31+$0xD800];
	_ =	sdelay $0x3  }
0x19c: {  	v12 =	vmax.f32 v8, $0.0e+00;
	v13 =	vmax.f32 v9, $0.0e+00  }
0x19d: {  	v14 =	vmax.f32 v10, $0.0e+00;
	v11 =	vmul.f32 $5.000000000e-01, v12;
	v15 =	vmul.f32 $5.000000000e-01, v13  }
0x19e: {  	v8 =	vshra.s32 v13, $0x1;
	v17 =	vmul.f32 $5.000000000e-01, v14;
	v9 =	vshra.s32 v14, $0x1  }
0x19f: {  	v10 =	vshra.s32 v12, $0x1;
	v8 =	vsub.s32 $0x5F3759DF, v8;
	v9 =	vsub.s32 $0x5F3759DF, v9  }
0x1a0: {  	v10 =	vsub.s32 $0x5F3759DF, v10;
	v16 =	vmul.f32 v8, v15;
	v18 =	vmul.f32 v9, v17  }
0x1a1: {  	v19 =	vmul.f32 v10, v11  }
0x1a2: {  	v16 =	vmul.f32 v8, v16;
	v18 =	vmul.f32 v9, v18  }
0x1a3: {  	v19 =	vmul.f32 v10, v19  }
0x1a4: {  	s0 =	simm.s32 $0x10;
	v16 =	vsub.f32 $1.500000000e+00, v16;
	v18 =	vsub.f32 $1.500000000e+00, v18  }
0x1a5: {  	v20 =	vld [tilespmem:s0+$0xD880];
	v19 =	vsub.f32 $1.500000000e+00, v19  }
0x1a6: {  	v21 =	vld [tilespmem:s0+$0xD780];
	v22 =	vmul.f32 v8, v16;
	v18 =	vmul.f32 v9, v18  }
0x1a7: {  	v9 =	vld [tilespmem:s0+$0xD800];
	v23 =	vmul.f32 v10, v19  }
0x1a8: {  	v8 =	vmul.f32 v22, v15;
	v10 =	vmul.f32 v18, v17  }
0x1a9: {  	v16 =	vmul.f32 v23, v11  }
0x1aa: {  	v19 =	vmul.f32 v8, v22;
	v24 =	vmul.f32 v10, v18  }
0x1ab: {  	v8 =	vmax.f32 v20, $0.0e+00;
	v10 =	vmax.f32 v21, $0.0e+00;
	v20 =	vmul.f32 v16, v23  }
0x1ac: {  	v9 =	vmax.f32 v9, $0.0e+00;
	v21 =	vsub.f32 $1.500000000e+00, v19;
	v24 =	vsub.f32 $1.500000000e+00, v24  }
0x1ad: {  	v16 =	vmul.f32 $5.000000000e-01, v8;
	v19 =	vmul.f32 $5.000000000e-01, v10;
	v25 =	vsub.f32 $1.500000000e+00, v20  }
0x1ae: {  	v26 =	vshra.s32 v8, $0x1;
	v21 =	vmul.f32 v21, v22;
	v18 =	vmul.f32 v24, v18  }
0x1af: {  	v20 =	vmul.f32 $5.000000000e-01, v9;
	v22 =	vshra.s32 v10, $0x1;
	v23 =	vmul.f32 v25, v23  }
0x1b0: {  	v22 =	vsub.s32 $0x5F3759DF, v22;
	v15 =	vmul.f32 v21, v15;
	v17 =	vmul.f32 v18, v17  }
0x1b1: {  	v25 =	vshra.s32 v9, $0x1;
	v24 =	vmul.f32 v22, v19;
	v11 =	vmul.f32 v23, v11  }
0x1b2: {  	v25 =	vsub.s32 $0x5F3759DF, v25;
	v15 =	vmul.f32 v15, v21;
	v17 =	vmul.f32 v17, v18  }
0x1b3: {  	v26 =	vsub.s32 $0x5F3759DF, v26;
	v27 =	vmul.f32 v25, v20;
	v11 =	vmul.f32 v11, v23  }
0x1b4: {  	v28 =	vmul.f32 v26, v16;
	v15 =	vsub.f32 $1.500000000e+00, v15;
	v29 =	vsub.f32 $1.500000000e+00, v17  }
0x1b5: {  	v24 =	vmul.f32 v22, v24;
	v27 =	vmul.f32 v25, v27;
	v30 =	vsub.f32 $1.500000000e+00, v11  }
0x1b6: {  	v17 =	vld [tilespmem:s31+$0xD600];
	v15 =	vmul.f32 v15, v21;
	v18 =	vmul.f32 v29, v18  }
0x1b7: {  	s2 =	simm.s32 $0x20;
	v28 =	vmul.f32 v26, v28;
	v11 =	vld [tilespmem:s31+$0xD680];
	v21 =	vsub.f32 $1.500000000e+00, v24;
	v23 =	vmul.f32 v30, v23  }
0x1b8: {  	v27 =	vsub.f32 $1.500000000e+00, v27;
	v29 =	vld [tilespmem:s2+$0xD880];
	v13 =	vmul.f32 v15, v13;
	v14 =	vmul.f32 v18, v14  }
0x1b9: {  	v30 =	vld [tilespmem:s2+$0xD780];
	v24 =	vmul.f32 v22, v21;
	v15 =	vsub.f32 $1.500000000e+00, v28  }
0x1ba: {  	v25 =	vmul.f32 v25, v27;
	v22 =	vld [tilespmem:s2+$0xD800];
	v18 =	vmul.f32 v23, v12;
	v14 =	vadd.f32 v14, v13  }
0x1bb: {  	v27 =	vld [tilespmem:s31+$0xD700];
	v21 =	vmul.f32 v24, v19;
	v26 =	vmul.f32 v26, v15  }
0x1bc: {  	v12 =	vld [tilespmem:s0+$0xD680];
	v23 =	vmul.f32 v25, v20;
	v14 =	vadd.f32 v18, v14  }
0x1bd: {  	v13 =	vld [tilespmem:s0+$0xD600];
	v18 =	vmax.f32 v29, $0.0e+00;
	v29 =	vmul.f32 v21, v24;
	v31 =	vmul.f32 v26, v16  }
0x1be: {  	v15 =	vld [tilespmem:s2+$0xD600];
	v21 =	vmax.f32 v30, $0.0e+00;
	v30 =	vmul.f32 v23, v25;
	v28 =	vmul.f32 $3.333333430e-01, v14  }
0x1bf: {  	s1 =	simm.s32 $0xC0;
	v22 =	vmax.f32 v22, $0.0e+00;
	v23 =	vmul.f32 $5.000000000e-01, v18;
	v14 =	vld [tilespmem:s2+$0xD680];
	v31 =	vmul.f32 v31, v26  }
.LBB2_22:
0x1c0: {  	p0 =	sne.s32 s1, $0x1C0;
	v29 =	vsub.f32 $1.500000000e+00, v29;
	v30 =	vsub.f32 $1.500000000e+00, v30;
	v28 =	vmax.f32 v28, $9.999999740e-06  }
0x1c1: {  	v32 =	vmul.f32 $5.000000000e-01, v21;
	v31 =	vsub.f32 $1.500000000e+00, v31;
	v27 =	vmul.f32 v28, v27  }
0x1c2: {  	v33 =	vshra.s32 v18, $0x1;
	v24 =	vmul.f32 v29, v24;
	v25 =	vmul.f32 v30, v25  }
0x1c3: {  	v29 =	vshra.s32 v21, $0x1;
	v30 =	vmul.f32 $5.000000000e-01, v22;
	v26 =	vmul.f32 v31, v26;
	[tilespmem:s31+$0xDA00] =	vst v27  }
0x1c4: {  	v27 =	vsub.s32 $0x5F3759DF, v29;
	v29 =	vmul.f32 v24, v19;
	v31 =	vmul.f32 v25, v20;
	v19 =	vmovc v32  }
0x1c5: {  	v34 =	vshra.s32 v22, $0x1;
	v20 =	vmovc v30;
	v32 =	vmul.f32 v27, v19;
	v35 =	vmul.f32 v26, v16;
	v16 =	vmovc v23  }
0x1c6: {  	v23 =	vsub.s32 $0x5F3759DF, v34;
	v29 =	vmul.f32 v29, v24;
	v30 =	vmul.f32 v31, v25  }
0x1c7: {  	v33 =	vsub.s32 $0x5F3759DF, v33;
	v31 =	vmul.f32 v23, v20;
	v34 =	vmul.f32 v35, v26  }
0x1c8: {  	v35 =	vmul.f32 v33, v16;
	v29 =	vsub.f32 $1.500000000e+00, v29;
	v30 =	vsub.f32 $1.500000000e+00, v30  }
0x1c9: {  	v32 =	vmul.f32 v27, v32;
	v31 =	vmul.f32 v23, v31;
	v34 =	vsub.f32 $1.500000000e+00, v34  }
0x1ca: {  	v24 =	vmul.f32 v29, v24;
	v25 =	vmul.f32 v30, v25  }
0x1cb: {  	s13 =	sshra.s32 s1, $0x2;
	v29 =	vsub.f32 $1.500000000e+00, v32;
	v30 =	vmul.f32 v33, v35;
	v26 =	vmul.f32 v34, v26  }
0x1cc: {  	v31 =	vsub.f32 $1.500000000e+00, v31;
	v32 =	vld [tilespmem:s13+$0xD880];
	v34 =	vmul.f32 v24, v10;
	v35 =	vmul.f32 v25, v9;
	v10 =	vmovc v21;
	v9 =	vmovc v22  }
0x1cd: {  	v24 =	vmul.f32 v27, v29;
	v22 =	vsub.f32 $1.500000000e+00, v30;
	v27 =	vmul.f32 v28, v17;
	v17 =	vmovc v13;
	v13 =	vmovc v15;
	v21 =	vld [tilespmem:s13+$0xD780]  }
0x1ce: {  	v25 =	vmul.f32 v23, v31;
	v29 =	vmul.f32 v26, v8;
	v8 =	vmovc v18;
	v36 =	vld [tilespmem:s13+$0xD800];
	v23 =	vadd.f32 v35, v34  }
.Ltmp10:
0x1cf: {  	v30 =	vmul.f32 v24, v19;
	v26 =	vmul.f32 v33, v22;
	v15 =	vld [tilespmem:s13+$0xD600];
	[tilespmem:s31+$0xD900] =	vst v27;
	(pc) =	sbr.rel @p0 .LBB2_22-.Ltmp10, $4  }
0x1d0: {  	v31 =	vmul.f32 v28, v11;
	v11 =	vmovc v12;
	v22 =	vmul.f32 v25, v20;
	v23 =	vadd.f32 v29, v23;
	v27 =	vld [tilespmem:s0+$0xD700]  }
0x1d1: {  	v12 =	vmovc v14;
	v29 =	vmul.f32 v30, v24;
	v18 =	vmax.f32 v32, $0.0e+00;
	v32 =	vmul.f32 v26, v16;
	v14 =	vld [tilespmem:s13+$0xD680]  }
0x1d2: {  	v30 =	vmul.f32 v22, v25;
	v21 =	vmax.f32 v21, $0.0e+00;
	v28 =	vmul.f32 $3.333333430e-01, v23;
	[tilespmem:s31+$0xD980] =	vst v31;
	s31 =	smov.u32 s0;
	s0 =	smov.u32 s2;
	s2 =	smov.u32 s13  }
0x1d3: {  	s1 =	sadd.s32 $0x40, s1;
	v23 =	vmul.f32 $5.000000000e-01, v18;
	v22 =	vmax.f32 v36, $0.0e+00;
	v31 =	vmul.f32 v32, v26  }
0x1d4: {  	v32 =	vmul.f32 $5.000000000e-01, v21;
	v33 =	vshra.s32 v21, $0x1;
	v29 =	vsub.f32 $1.500000000e+00, v29  }
0x1d5: {  	v30 =	vsub.f32 $1.500000000e+00, v30;
	v35 =	vshra.s32 v18, $0x1;
	v42 =	vmul.f32 $5.000000000e-01, v22  }
0x1d6: {  	v43 =	vshra.s32 v22, $0x1;
	v28 =	vmax.f32 v28, $9.999999740e-06;
	v33 =	vsub.s32 $0x5F3759DF, v33  }
0x1d7: {  	v31 =	vsub.f32 $1.500000000e+00, v31;
	v27 =	vmul.f32 v28, v27;
	v34 =	vmul.f32 v33, v32  }
0x1d8: {  	v44 =	vsub.s32 $0x5F3759DF, v43;
	v17 =	vmul.f32 v28, v17;
	v24 =	vmul.f32 v29, v24  }
0x1d9: {  	v35 =	vsub.s32 $0x5F3759DF, v35;
	v41 =	vmul.f32 v33, v34;
	v34 =	vmul.f32 v44, v42  }
0x1da: {  	v25 =	vmul.f32 v30, v25;
	v45 =	vmul.f32 v35, v23  }
0x1db: {  	v26 =	vmul.f32 v31, v26;
	v29 =	vsub.f32 $1.500000000e+00, v41;
	v34 =	vmul.f32 v44, v34  }
0x1dc: {  	v19 =	vmul.f32 v24, v19;
	v20 =	vmul.f32 v25, v20  }
0x1dd: {  	v29 =	vmul.f32 v33, v29;
	v33 =	vmul.f32 v35, v45;
	v34 =	vsub.f32 $1.500000000e+00, v34  }
0x1de: {  	v16 =	vmul.f32 v26, v16;
	v19 =	vmul.f32 v19, v24  }
0x1df: {  	v20 =	vmul.f32 v20, v25;
	v33 =	vsub.f32 $1.500000000e+00, v33;
	v31 =	vmul.f32 v44, v34  }
0x1e0: {  	v16 =	vmul.f32 v16, v26;
	v47 =	vmul.f32 v29, v32  }
0x1e1: {  	v46 =	vmul.f32 v35, v33;
	v34 =	vmul.f32 v31, v42  }
0x1e2: {  	v19 =	vsub.f32 $1.500000000e+00, v19;
	v20 =	vsub.f32 $1.500000000e+00, v20;
	v33 =	vmul.f32 v47, v29  }
0x1e3: {  	v16 =	vsub.f32 $1.500000000e+00, v16;
	v48 =	vmul.f32 v46, v23;
	v34 =	vmul.f32 v34, v31  }
0x1e4: {  	v19 =	vmul.f32 v19, v24;
	v20 =	vmul.f32 v20, v25;
	v49 =	vsub.f32 $1.500000000e+00, v33  }
0x1e5: {  	v16 =	vmul.f32 v16, v26;
	v25 =	vmul.f32 v48, v46;
	v50 =	vsub.f32 $1.500000000e+00, v34  }
0x1e6: {  	v10 =	vmul.f32 v19, v10;
	v19 =	vmul.f32 v49, v29  }
0x1e7: {  	v9 =	vmul.f32 v20, v9;
	v51 =	vsub.f32 $1.500000000e+00, v25;
	v52 =	vmul.f32 v50, v31  }
0x1e8: {  	v8 =	vmul.f32 v16, v8;
	v54 =	vmul.f32 v19, v32  }
0x1e9: {  	[tilespmem:s31+$0xDA00] =	vst v27;
	v9 =	vadd.f32 v9, v10;
	v53 =	vmul.f32 v51, v46;
	v55 =	vmul.f32 v52, v42  }
0x1ea: {  	[tilespmem:s31+$0xD900] =	vst v17;
	v10 =	vmul.f32 v54, v19  }
0x1eb: {  	v57 =	vld [tilespmem:s0+$0xD700];
	v8 =	vadd.f32 v8, v9;
	v56 =	vmul.f32 v53, v23;
	v20 =	vmul.f32 v55, v52  }
0x1ec: {  	v10 =	vsub.f32 $1.500000000e+00, v10  }
0x1ed: {  	v8 =	vmul.f32 $3.333333430e-01, v8;
	v17 =	vmul.f32 v56, v53;
	v20 =	vsub.f32 $1.500000000e+00, v20  }
0x1ee: {  	v11 =	vmul.f32 v28, v11;
	v10 =	vmul.f32 v10, v19  }
0x1ef: {  	v8 =	vmax.f32 v8, $9.999999740e-06;
	v17 =	vsub.f32 $1.500000000e+00, v17;
	v58 =	vmul.f32 v20, v52  }
0x1f0: {  	v9 =	vmul.f32 v8, v57;
	v10 =	vmul.f32 v10, v21  }
0x1f1: {  	v16 =	vmul.f32 v17, v53;
	v59 =	vmul.f32 v58, v22  }
0x1f2: {  	[tilespmem:s31+$0xD980] =	vst v11;
	v60 =	vmul.f32 v8, v13  }
0x1f3: {  	[tilespmem:s0+$0xDA00] =	vst v9;
	v61 =	vadd.f32 v59, v10;
	v62 =	vmul.f32 v16, v18  }
0x1f4: {  	[tilespmem:s0+$0xD900] =	vst v60  }
0x1f5: {  	v63 =	vld [tilespmem:s2+$0xD700];
	v9 =	vadd.f32 v62, v61;
	_ =	sdelay $0x1  }
0x1f6: {  	v9 =	vmul.f32 $3.333333430e-01, v9;
	_ =	sdelay $0x1  }
0x1f7: {  	v8 =	vmul.f32 v8, v12;
	v9 =	vmax.f32 v9, $9.999999740e-06  }
0x1f8: {  	v10 =	vmul.f32 v9, v63  }
0x1f9: {  	[tilespmem:s0+$0xD980] =	vst v8;
	v8 =	vmul.f32 v9, v15  }
0x1fa: {  	v9 =	vmul.f32 v9, v14;
	[tilespmem:s2+$0xDA00] =	vst v10  }
0x1fb: {  	[tilespmem:s2+$0xD900] =	vst v8  }
0x1fc: {  	s31 =	simm.s32 $0xD900;
	[tilespmem:s2+$0xD980] =	vst v9  }
0x1fd: {  	[hbm4b:s8+s3] =	stream.linear.scatter [tilespmem:s31], [sflag:$0x1], $0x80, $0x38;
	[tilespmem:$0xDA80] =	vst v63  }
0x1fe: {  	_ =	swait.ge [sflag:s12], $0x80  }
0x1ff: {  	[sflag:s12] =	ssyncset.done $0x0  }
0x200: {  	[sflag:s12] =	ssyncadd.s32 $0xFFFFFF80  }
0x201: {  	[hbm4b:s9+s3] =	stream.linear.scatter [tilespmem:s28], [sflag:$0x1], $0x80, $0x38;
	[tilespmem:$0xDA80] =	vst v63  }
0x202: {  	_ =	swait.ge [sflag:s12], $0x80  }
0x203: {  	s30 =	sadd.s32 $0x1, s30;
	[sflag:s12] =	ssyncset.done $0x0  }
0x204: {  	p0 =	sne.s32 s30, s11;
	[sflag:s12] =	ssyncadd.s32 $0xFFFFFF80  }
0x205: {  	[hbm4b:s10+s3] =	stream.linear.scatter [tilespmem:s29], [sflag:$0x1], $0x80, $0x38;
	[tilespmem:$0xDA80] =	vst v63  }
.Ltmp11:
0x206: {  	_ = 	snop;
	(pc) =	sbr.rel @p0 .LBB2_1-.Ltmp11, $4  }
.Ltmp12:
0x207: {  	_ = 	snop;
	(pc) =	sbr.rel @!p0 .LBB2_24-.Ltmp12, $4  }
0x208: {  	_ =	swait.ge [sflag:s12], $0x80  }
0x209: {  	[sflag:s12] =	ssyncset.done $0x0  }
0x20a: {  	[sflag:s12] =	ssyncadd.s32 $0xFFFFFF80  }
0x20b: {  	_ = 	snop  }
.LBB2_8:
.Ltmp13:
0x20c: {  	(pc) =	sbr.rel .LBB2_13-.Ltmp13, $2  }
0x20d: {  	_ =	sdelay $0x2  }
0x20e: {  	s1 =	simm.s32 $0x0  }
.LBB2_10:
.Ltmp14:
0x20f: {  	(pc) =	sbr.rel .LBB2_13-.Ltmp14, $2  }
0x210: {  	_ =	sdelay $0x2  }
0x211: {  	s14 =	simm.s32 $0x10;
	s1 =	simm.s32 $0x0  }
.LBB2_24:
0x212: {  	_ =	sfence.sel $0x180000  }
0x213: {  	[bflag:$0x0] =	sbarrier.arrive $0xFFFF  }
0x214: {  	_ =	strace $0x90000047  }
0x215: {  	s0 =	stileid.u32;
	[bflag:$0x2] =	sbarrier.arrive $0xFFFF  }
0x216: {  	p0 =	sne.s32 s0, $0x0;
	s0 =	rddreg [dreg:$0x2]  }
0x217: {  	s0 =	sadd.s32 @!p0 $0x100000, s0  }
0x218: {  	[sflag:s0] =	ssyncadd.tile.s32 @!p0 $0x1;
	_ =	shalt  }
.Lfunc_end2:
_tile_overlayer_lowered:
.L_overlay_start_2:
0x219: {  	(tag) =	ssettag $0x2  }
0x21a: {  	s0 =	rddreg [dreg:$0x0];
	s2 =	stileid.u32  }
0x21b: {  	s1 =	rddreg [dreg:$0x1];
	p0 =	sne.s32 s2, $0x0  }
0x21c: {  	s3 =	rddreg [dreg:$0x2];
	[bflag:$0x3] =	sbarrier.arrive $0xFFFF;
	s2 =	simm.s32 @!p0 $0x1C01  }
0x21d: {  	[timem:s3], [sflag:s2] =	dma.local @!p0 [hbm:s0], s1  }
0x21e: {  	s0 =	simm.s32 @!p0 $0x1  }
0x21f: {  	_ =	swait.ge @!p0 [sflag:s0], s1  }
0x220: {  	s1 =	ssub.s32 @!p0 $0x0, s1;
	[sflag:s0] =	ssyncset.done @!p0 $0x0  }
0x221: {  	[sflag:s0] =	ssyncadd.s32 @!p0 s1  }
0x222: {  	[bflag:$0x3] =	sbarrier.arrive $0xFFFF  }
0x223: {  	_ =	shalt  }

</sc_bundles>
